<compile_context>
chip_gen: v7x
topology: tpu7x:2x2x1
jax: 0.10.2.dev20260603
libtpu: 0.0.44.dev20260713+nightly
codegen_flags: <defaults>
</compile_context>

<pallas_src>
import functools

import jax
import jax.numpy as jnp
from jax import lax
from jax.experimental import pallas as pl
from jax.experimental.pallas import tpu as pltpu
from jax.experimental.pallas import tpu_sc as plsc

EMB = 128

NC = 2
NS = 16
NW = NC * NS


@functools.cache
def _build(batch: int, seq: int, pitch_num: int, beat_num: int,
           dur_num: int):
    assert batch % NW == 0
    bpw = batch // NW

    mesh = plsc.VectorSubcoreMesh(core_axis_name="c", subcore_axis_name="s")

    @functools.partial(
        pl.kernel,
        out_type=jax.ShapeDtypeStruct((seq, batch, 3 * EMB), jnp.float32),
        mesh=mesh,
        compiler_params=pltpu.CompilerParams(needs_layout_passes=False),
        scratch_types=[
            pltpu.VMEM((seq, 4, bpw), jnp.int32),
            pltpu.VMEM((2, 3, bpw, EMB), jnp.float32),
            pltpu.VMEM_SHARED((pitch_num, EMB), jnp.float32),
            pltpu.VMEM_SHARED((beat_num, EMB), jnp.float32),
            pltpu.VMEM_SHARED((dur_num, EMB), jnp.float32),
            pltpu.SemaphoreType.DMA,
            pltpu.SemaphoreType.DMA,
            pltpu.SemaphoreType.DMA,
            pltpu.SemaphoreType.DMA,
        ],
    )
    def emb_kernel(pitch_hbm, beat_hbm, dur_hbm, xt_hbm, out_hbm,
                   x_v, rows_v, tp_sh, tb_sh, td_sh, sg0, sg1, so0, so1):
        wid = lax.axis_index("s") * NC + lax.axis_index("c")
        b0 = wid * bpw
        sg = (sg0, sg1)
        so = (so0, so1)
        tables = (tp_sh, tb_sh, td_sh)

        @pl.when(lax.axis_index("s") == 0)
        def _():
            pltpu.sync_copy(pitch_hbm, tp_sh)
            pltpu.sync_copy(beat_hbm, tb_sh)
            pltpu.sync_copy(dur_hbm, td_sh)

        pltpu.sync_copy(xt_hbm.at[:, :, pl.ds(b0, bpw)], x_v)
        plsc.subcore_barrier()

        def gathers(si, b, make_only):
            for k in range(3):
                cp = pltpu.make_async_copy(
                    tables[k].at[x_v.at[si, k + 1]], rows_v.at[b, k], sg[b]
                )
                if make_only:
                    cp.wait()
                else:
                    cp.start()

        def out_copies(si, b, make_only):
            for k in range(3):
                cp = pltpu.make_async_copy(
                    rows_v.at[b, k],
                    out_hbm.at[si, pl.ds(b0, bpw), pl.ds(k * EMB, EMB)],
                    so[b],
                )
                if make_only:
                    cp.wait()
                else:
                    cp.start()

        gathers(0, 0, make_only=False)
        gathers(1, 1, make_only=False)

        def body(jj, carry):
            for b in range(2):
                si = 2 * jj + b
                gathers(si, b, make_only=True)
                out_copies(si, b, make_only=False)

                @pl.when(si + 2 < seq)
                def _():
                    out_copies(si, b, make_only=True)
                    gathers(si + 2, b, make_only=False)

            return carry

        lax.fori_loop(0, seq // 2, body, 0)
        out_copies(seq - 2, 0, make_only=True)
        out_copies(seq - 1, 1, make_only=True)

    return emb_kernel


def kernel(x, pitch_embedding, beat_embedding, dur_embedding):
    batch, seq, _ = x.shape
    xt = jnp.transpose(x.astype(jnp.int32), (1, 2, 0))
    fn = _build(batch, seq, pitch_embedding.shape[0],
                beat_embedding.shape[0], dur_embedding.shape[0])
    res = fn(pitch_embedding.astype(jnp.float32),
             beat_embedding.astype(jnp.float32),
             dur_embedding.astype(jnp.float32), xt)
    return jnp.transpose(res, (1, 0, 2))

# --- scband reference (transcript-rebuilt; emitter-appended) ---
"""Pipeline reference for scband-cpembedding-layer-4217657884769 (READ-ONLY COPY).

The authoritative reference and input builder live on the scoring server;
editing this copy changes nothing except your own understanding.
"""

import jax, jax.numpy as jnp
import numpy as np

PITCH_NUM = 128
BEAT_NUM = 64
DUR_NUM = 128
EMB_SIZE = 128
BATCH = 4096
SEQ = 50


def setup_inputs(seed: int = 0):
    key = jax.random.key(seed)
    k1, k2, k3, k4 = jax.random.split(key, 4)
    # x holds 4 compound-token fields per position; fields 1..3 are (pitch, beat, dur)
    # values < 64 so they are in-range for all three vocabularies
    x = jax.random.randint(k1, (BATCH, SEQ, 4), 0, 64)
    pitch_embedding = jax.random.normal(k2, (PITCH_NUM, EMB_SIZE), dtype=jnp.float32) * 0.02
    beat_embedding = jax.random.normal(k3, (BEAT_NUM, EMB_SIZE), dtype=jnp.float32) * 0.02
    dur_embedding = jax.random.normal(k4, (DUR_NUM, EMB_SIZE), dtype=jnp.float32) * 0.02
    return {"x": x, "pitch_embedding": pitch_embedding, "beat_embedding": beat_embedding, "dur_embedding": dur_embedding}


def reference(x, pitch_embedding, beat_embedding, dur_embedding):
    # convert(): the torch module maps raw token values -> vocab indices via a
    # python dict (vocab['pitch2idx'] etc). Here inputs are already valid indices,
    # so the value->index map is the identity.
    pitch = x[..., 1]
    beat = x[..., 2]
    dur = x[..., 3]
    pe = jnp.take(pitch_embedding, pitch, axis=0)
    se = jnp.take(beat_embedding, beat, axis=0)
    de = jnp.take(dur_embedding, dur, axis=0)
    note_embedding = jnp.concatenate((pe, se, de), axis=-1)
    return note_embedding

if __name__ == "__main__":
    import jax
    _d = setup_inputs()
    print(jax.jit(kernel)(*tuple(_d.values())))

</pallas_src>

<mosaic_0001>
#map = affine_map<(d0, d1) -> (0, 0)>
#map1 = affine_map<(d0, d1) -> (0, 0, 0)>
module attributes {stable_mosaic.version = 14 : i64} {
  func.func @emb_kernel(%arg0: i32, %arg1: i32, %arg2: memref<128x128xf32, #tpu.memory_space<hbm>>, %arg3: memref<64x128xf32, #tpu.memory_space<hbm>>, %arg4: memref<128x128xf32, #tpu.memory_space<hbm>>, %arg5: memref<50x4x4096xi32, #tpu.memory_space<hbm>>, %arg6: memref<50x4096x384xf32, #tpu.memory_space<hbm>>, %arg7: memref<50x4x128xi32, #tpu.memory_space<vmem>>, %arg8: memref<2x3x128x128xf32, #tpu.memory_space<vmem>>, %arg9: memref<128x128xf32, #tpu.memory_space<vmem_shared>>, %arg10: memref<64x128xf32, #tpu.memory_space<vmem_shared>>, %arg11: memref<128x128xf32, #tpu.memory_space<vmem_shared>>, %arg12: memref<!tpu.dma_semaphore, #tpu.memory_space<semaphore_mem>>, %arg13: memref<!tpu.dma_semaphore, #tpu.memory_space<semaphore_mem>>, %arg14: memref<!tpu.dma_semaphore, #tpu.memory_space<semaphore_mem>>, %arg15: memref<!tpu.dma_semaphore, #tpu.memory_space<semaphore_mem>>) attributes {dimension_semantics = [#tpu.dimension_semantics<core_parallel>, #tpu.dimension_semantics<subcore_parallel>], iteration_bounds = array<i64: 2, 16>, scalar_prefetch = 0 : i64, scratch_operands = 9 : i64, tpu.core_type = #tpu.core_type<sc_vector_subcore>, window_params = [{transform_indices = #map}, {transform_indices = #map}, {transform_indices = #map}, {transform_indices = #map1}, {transform_indices = #map1}]} {
    %mul3A = arith.constant 2 : i32
    %mul3A_0 = arith.muli %arg1, %mul3A : i32
    %add3A = arith.addi %mul3A_0, %arg0 : i32
    %mul3A_1 = arith.constant 128 : i32
    %mul3A_2 = arith.muli %add3A, %mul3A_1 : i32
    %eq3A = arith.constant 0 : i32
    %eq3A_3 = arith.cmpi eq, %arg1, %eq3A : i32
    %convert_element_type3A = arith.extui %eq3A_3 : i1 to i32
    %cond3A = arith.constant 0 : i32
    %cond3A_4 = arith.cmpi ne, %convert_element_type3A, %cond3A : i32
    scf.if %cond3A_4 {
      "tpu.region"() ({
        %run_scoped3A = tpu.sem_alloc : memref<!tpu.dma_semaphore, #tpu.memory_space<semaphore_mem>>
        tpu.enqueue_dma source(%arg2 : memref<128x128xf32, #tpu.memory_space<hbm>>) target(%arg9 : memref<128x128xf32, #tpu.memory_space<vmem_shared>>) target_semaphore(%run_scoped3A : memref<!tpu.dma_semaphore, #tpu.memory_space<semaphore_mem>>)
        tpu.wait_dma2 semaphore(%run_scoped3A : memref<!tpu.dma_semaphore, #tpu.memory_space<semaphore_mem>>) src(%arg2 : memref<128x128xf32, #tpu.memory_space<hbm>>) dst(%arg9 : memref<128x128xf32, #tpu.memory_space<vmem_shared>>)
        tpu.yield
      }) : () -> ()
      "tpu.region"() ({
        %run_scoped3A = tpu.sem_alloc : memref<!tpu.dma_semaphore, #tpu.memory_space<semaphore_mem>>
        tpu.enqueue_dma source(%arg3 : memref<64x128xf32, #tpu.memory_space<hbm>>) target(%arg10 : memref<64x128xf32, #tpu.memory_space<vmem_shared>>) target_semaphore(%run_scoped3A : memref<!tpu.dma_semaphore, #tpu.memory_space<semaphore_mem>>)
        tpu.wait_dma2 semaphore(%run_scoped3A : memref<!tpu.dma_semaphore, #tpu.memory_space<semaphore_mem>>) src(%arg3 : memref<64x128xf32, #tpu.memory_space<hbm>>) dst(%arg10 : memref<64x128xf32, #tpu.memory_space<vmem_shared>>)
        tpu.yield
      }) : () -> ()
      "tpu.region"() ({
        %run_scoped3A = tpu.sem_alloc : memref<!tpu.dma_semaphore, #tpu.memory_space<semaphore_mem>>
        tpu.enqueue_dma source(%arg4 : memref<128x128xf32, #tpu.memory_space<hbm>>) target(%arg11 : memref<128x128xf32, #tpu.memory_space<vmem_shared>>) target_semaphore(%run_scoped3A : memref<!tpu.dma_semaphore, #tpu.memory_space<semaphore_mem>>)
        tpu.wait_dma2 semaphore(%run_scoped3A : memref<!tpu.dma_semaphore, #tpu.memory_space<semaphore_mem>>) src(%arg4 : memref<128x128xf32, #tpu.memory_space<hbm>>) dst(%arg11 : memref<128x128xf32, #tpu.memory_space<vmem_shared>>)
        tpu.yield
      }) : () -> ()
    } else {
    }
    "tpu.region"() ({
      %run_scoped3A = tpu.sem_alloc : memref<!tpu.dma_semaphore, #tpu.memory_space<semaphore_mem>>
      %dma_start3A_194 = arith.constant 0 : i32
      %dma_start3A_195 = arith.constant 0 : i32
      %dma_start3A_196 = tpu.memref_slice %arg5[%dma_start3A_194, %dma_start3A_195, %mul3A_2] : memref<50x4x4096xi32, #tpu.memory_space<hbm>> -> memref<50x4x128xi32, #tpu.memory_space<hbm>>
      %dma_start3A_197 = arith.constant 0 : i32
      %dma_start3A_198 = arith.constant 0 : i32
      %dma_start3A_199 = tpu.memref_slice %arg5[%dma_start3A_197, %dma_start3A_198, %mul3A_2] : memref<50x4x4096xi32, #tpu.memory_space<hbm>> -> memref<50x4x128xi32, #tpu.memory_space<hbm>>
      tpu.enqueue_dma source(%dma_start3A_199 : memref<50x4x128xi32, #tpu.memory_space<hbm>>) target(%arg7 : memref<50x4x128xi32, #tpu.memory_space<vmem>>) target_semaphore(%run_scoped3A : memref<!tpu.dma_semaphore, #tpu.memory_space<semaphore_mem>>)
      %dma_wait3A_200 = arith.constant 0 : i32
      %dma_wait3A_201 = arith.constant 0 : i32
      %dma_wait3A_202 = tpu.memref_slice %arg5[%dma_wait3A_200, %dma_wait3A_201, %mul3A_2] : memref<50x4x4096xi32, #tpu.memory_space<hbm>> -> memref<50x4x128xi32, #tpu.memory_space<hbm>>
      %dma_wait3A_203 = arith.constant 0 : i32
      %dma_wait3A_204 = arith.constant 0 : i32
      %dma_wait3A_205 = tpu.memref_slice %arg5[%dma_wait3A_203, %dma_wait3A_204, %mul3A_2] : memref<50x4x4096xi32, #tpu.memory_space<hbm>> -> memref<50x4x128xi32, #tpu.memory_space<hbm>>
      tpu.wait_dma2 semaphore(%run_scoped3A : memref<!tpu.dma_semaphore, #tpu.memory_space<semaphore_mem>>) src(%dma_wait3A_205 : memref<50x4x128xi32, #tpu.memory_space<hbm>>) dst(%arg7 : memref<50x4x128xi32, #tpu.memory_space<vmem>>)
      tpu.yield
    }) : () -> ()
    %barrier3A = arith.constant 0 : index
    tpu.barrier barrier_id(%barrier3A)
    %dma_start3A = arith.constant 0 : i32
    %dma_start3A_5 = arith.constant 1 : i32
    %dma_start3A_6 = arith.constant 0 : i32
    %dma_start3A_7 = arith.constant 0 : i32
    %dma_start3A_8 = arith.constant 0 : i32
    %dma_start3A_9 = arith.constant 0 : i32
    %dma_start3A_10 = tpu.memref_slice %arg8[%dma_start3A_6, %dma_start3A_7, %dma_start3A_8, %dma_start3A_9] : memref<2x3x128x128xf32, #tpu.memory_space<vmem>> -> memref<1x1x128x128xf32, #tpu.memory_space<vmem>>
    %dma_start3A_11 = tpu.memref_squeeze %dma_start3A_10 : memref<1x1x128x128xf32, #tpu.memory_space<vmem>> -> memref<128x128xf32, #tpu.memory_space<vmem>>
    %dma_start3A_12 = arith.constant 0 : i32
    %dma_start3A_13 = tpu.memref_slice %arg7[%dma_start3A, %dma_start3A_5, %dma_start3A_12] : memref<50x4x128xi32, #tpu.memory_space<vmem>> -> memref<1x1x128xi32, #tpu.memory_space<vmem>>
    %dma_start3A_14 = tpu.memref_squeeze %dma_start3A_13 : memref<1x1x128xi32, #tpu.memory_space<vmem>> -> memref<128xi32, #tpu.memory_space<vmem>>
    %dma_start3A_15 = arith.constant 0 : i32
    %dma_start3A_16 = arith.constant 0 : i32
    %dma_start3A_17 = tpu.memref_slice %arg9[%dma_start3A_15, %dma_start3A_16] : memref<128x128xf32, #tpu.memory_space<vmem_shared>> -> memref<128x128xf32, #tpu.memory_space<vmem_shared>>
    tpu.enqueue_indirect_dma source(%dma_start3A_17 : memref<128x128xf32, #tpu.memory_space<vmem_shared>>) target(%dma_start3A_11 : memref<128x128xf32, #tpu.memory_space<vmem>>) offsets(%dma_start3A_14 : memref<128xi32, #tpu.memory_space<vmem>>) semaphore(%arg12 : memref<!tpu.dma_semaphore, #tpu.memory_space<semaphore_mem>>)
    %dma_start3A_18 = arith.constant 0 : i32
    %dma_start3A_19 = arith.constant 2 : i32
    %dma_start3A_20 = arith.constant 0 : i32
    %dma_start3A_21 = arith.constant 1 : i32
    %dma_start3A_22 = arith.constant 0 : i32
    %dma_start3A_23 = arith.constant 0 : i32
    %dma_start3A_24 = tpu.memref_slice %arg8[%dma_start3A_20, %dma_start3A_21, %dma_start3A_22, %dma_start3A_23] : memref<2x3x128x128xf32, #tpu.memory_space<vmem>> -> memref<1x1x128x128xf32, #tpu.memory_space<vmem>>
    %dma_start3A_25 = tpu.memref_squeeze %dma_start3A_24 : memref<1x1x128x128xf32, #tpu.memory_space<vmem>> -> memref<128x128xf32, #tpu.memory_space<vmem>>
    %dma_start3A_26 = arith.constant 0 : i32
    %dma_start3A_27 = tpu.memref_slice %arg7[%dma_start3A_18, %dma_start3A_19, %dma_start3A_26] : memref<50x4x128xi32, #tpu.memory_space<vmem>> -> memref<1x1x128xi32, #tpu.memory_space<vmem>>
    %dma_start3A_28 = tpu.memref_squeeze %dma_start3A_27 : memref<1x1x128xi32, #tpu.memory_space<vmem>> -> memref<128xi32, #tpu.memory_space<vmem>>
    %dma_start3A_29 = arith.constant 0 : i32
    %dma_start3A_30 = arith.constant 0 : i32
    %dma_start3A_31 = tpu.memref_slice %arg10[%dma_start3A_29, %dma_start3A_30] : memref<64x128xf32, #tpu.memory_space<vmem_shared>> -> memref<64x128xf32, #tpu.memory_space<vmem_shared>>
    tpu.enqueue_indirect_dma source(%dma_start3A_31 : memref<64x128xf32, #tpu.memory_space<vmem_shared>>) target(%dma_start3A_25 : memref<128x128xf32, #tpu.memory_space<vmem>>) offsets(%dma_start3A_28 : memref<128xi32, #tpu.memory_space<vmem>>) semaphore(%arg12 : memref<!tpu.dma_semaphore, #tpu.memory_space<semaphore_mem>>)
    %dma_start3A_32 = arith.constant 0 : i32
    %dma_start3A_33 = arith.constant 3 : i32
    %dma_start3A_34 = arith.constant 0 : i32
    %dma_start3A_35 = arith.constant 2 : i32
    %dma_start3A_36 = arith.constant 0 : i32
    %dma_start3A_37 = arith.constant 0 : i32
    %dma_start3A_38 = tpu.memref_slice %arg8[%dma_start3A_34, %dma_start3A_35, %dma_start3A_36, %dma_start3A_37] : memref<2x3x128x128xf32, #tpu.memory_space<vmem>> -> memref<1x1x128x128xf32, #tpu.memory_space<vmem>>
    %dma_start3A_39 = tpu.memref_squeeze %dma_start3A_38 : memref<1x1x128x128xf32, #tpu.memory_space<vmem>> -> memref<128x128xf32, #tpu.memory_space<vmem>>
    %dma_start3A_40 = arith.constant 0 : i32
    %dma_start3A_41 = tpu.memref_slice %arg7[%dma_start3A_32, %dma_start3A_33, %dma_start3A_40] : memref<50x4x128xi32, #tpu.memory_space<vmem>> -> memref<1x1x128xi32, #tpu.memory_space<vmem>>
    %dma_start3A_42 = tpu.memref_squeeze %dma_start3A_41 : memref<1x1x128xi32, #tpu.memory_space<vmem>> -> memref<128xi32, #tpu.memory_space<vmem>>
    %dma_start3A_43 = arith.constant 0 : i32
    %dma_start3A_44 = arith.constant 0 : i32
    %dma_start3A_45 = tpu.memref_slice %arg11[%dma_start3A_43, %dma_start3A_44] : memref<128x128xf32, #tpu.memory_space<vmem_shared>> -> memref<128x128xf32, #tpu.memory_space<vmem_shared>>
    tpu.enqueue_indirect_dma source(%dma_start3A_45 : memref<128x128xf32, #tpu.memory_space<vmem_shared>>) target(%dma_start3A_39 : memref<128x128xf32, #tpu.memory_space<vmem>>) offsets(%dma_start3A_42 : memref<128xi32, #tpu.memory_space<vmem>>) semaphore(%arg12 : memref<!tpu.dma_semaphore, #tpu.memory_space<semaphore_mem>>)
    %dma_start3A_46 = arith.constant 1 : i32
    %dma_start3A_47 = arith.constant 1 : i32
    %dma_start3A_48 = arith.constant 1 : i32
    %dma_start3A_49 = arith.constant 0 : i32
    %dma_start3A_50 = arith.constant 0 : i32
    %dma_start3A_51 = arith.constant 0 : i32
    %dma_start3A_52 = tpu.memref_slice %arg8[%dma_start3A_48, %dma_start3A_49, %dma_start3A_50, %dma_start3A_51] : memref<2x3x128x128xf32, #tpu.memory_space<vmem>> -> memref<1x1x128x128xf32, #tpu.memory_space<vmem>>
    %dma_start3A_53 = tpu.memref_squeeze %dma_start3A_52 : memref<1x1x128x128xf32, #tpu.memory_space<vmem>> -> memref<128x128xf32, #tpu.memory_space<vmem>>
    %dma_start3A_54 = arith.constant 0 : i32
    %dma_start3A_55 = tpu.memref_slice %arg7[%dma_start3A_46, %dma_start3A_47, %dma_start3A_54] : memref<50x4x128xi32, #tpu.memory_space<vmem>> -> memref<1x1x128xi32, #tpu.memory_space<vmem>>
    %dma_start3A_56 = tpu.memref_squeeze %dma_start3A_55 : memref<1x1x128xi32, #tpu.memory_space<vmem>> -> memref<128xi32, #tpu.memory_space<vmem>>
    %dma_start3A_57 = arith.constant 0 : i32
    %dma_start3A_58 = arith.constant 0 : i32
    %dma_start3A_59 = tpu.memref_slice %arg9[%dma_start3A_57, %dma_start3A_58] : memref<128x128xf32, #tpu.memory_space<vmem_shared>> -> memref<128x128xf32, #tpu.memory_space<vmem_shared>>
    tpu.enqueue_indirect_dma source(%dma_start3A_59 : memref<128x128xf32, #tpu.memory_space<vmem_shared>>) target(%dma_start3A_53 : memref<128x128xf32, #tpu.memory_space<vmem>>) offsets(%dma_start3A_56 : memref<128xi32, #tpu.memory_space<vmem>>) semaphore(%arg13 : memref<!tpu.dma_semaphore, #tpu.memory_space<semaphore_mem>>)
    %dma_start3A_60 = arith.constant 1 : i32
    %dma_start3A_61 = arith.constant 2 : i32
    %dma_start3A_62 = arith.constant 1 : i32
    %dma_start3A_63 = arith.constant 1 : i32
    %dma_start3A_64 = arith.constant 0 : i32
    %dma_start3A_65 = arith.constant 0 : i32
    %dma_start3A_66 = tpu.memref_slice %arg8[%dma_start3A_62, %dma_start3A_63, %dma_start3A_64, %dma_start3A_65] : memref<2x3x128x128xf32, #tpu.memory_space<vmem>> -> memref<1x1x128x128xf32, #tpu.memory_space<vmem>>
    %dma_start3A_67 = tpu.memref_squeeze %dma_start3A_66 : memref<1x1x128x128xf32, #tpu.memory_space<vmem>> -> memref<128x128xf32, #tpu.memory_space<vmem>>
    %dma_start3A_68 = arith.constant 0 : i32
    %dma_start3A_69 = tpu.memref_slice %arg7[%dma_start3A_60, %dma_start3A_61, %dma_start3A_68] : memref<50x4x128xi32, #tpu.memory_space<vmem>> -> memref<1x1x128xi32, #tpu.memory_space<vmem>>
    %dma_start3A_70 = tpu.memref_squeeze %dma_start3A_69 : memref<1x1x128xi32, #tpu.memory_space<vmem>> -> memref<128xi32, #tpu.memory_space<vmem>>
    %dma_start3A_71 = arith.constant 0 : i32
    %dma_start3A_72 = arith.constant 0 : i32
    %dma_start3A_73 = tpu.memref_slice %arg10[%dma_start3A_71, %dma_start3A_72] : memref<64x128xf32, #tpu.memory_space<vmem_shared>> -> memref<64x128xf32, #tpu.memory_space<vmem_shared>>
    tpu.enqueue_indirect_dma source(%dma_start3A_73 : memref<64x128xf32, #tpu.memory_space<vmem_shared>>) target(%dma_start3A_67 : memref<128x128xf32, #tpu.memory_space<vmem>>) offsets(%dma_start3A_70 : memref<128xi32, #tpu.memory_space<vmem>>) semaphore(%arg13 : memref<!tpu.dma_semaphore, #tpu.memory_space<semaphore_mem>>)
    %dma_start3A_74 = arith.constant 1 : i32
    %dma_start3A_75 = arith.constant 3 : i32
    %dma_start3A_76 = arith.constant 1 : i32
    %dma_start3A_77 = arith.constant 2 : i32
    %dma_start3A_78 = arith.constant 0 : i32
    %dma_start3A_79 = arith.constant 0 : i32
    %dma_start3A_80 = tpu.memref_slice %arg8[%dma_start3A_76, %dma_start3A_77, %dma_start3A_78, %dma_start3A_79] : memref<2x3x128x128xf32, #tpu.memory_space<vmem>> -> memref<1x1x128x128xf32, #tpu.memory_space<vmem>>
    %dma_start3A_81 = tpu.memref_squeeze %dma_start3A_80 : memref<1x1x128x128xf32, #tpu.memory_space<vmem>> -> memref<128x128xf32, #tpu.memory_space<vmem>>
    %dma_start3A_82 = arith.constant 0 : i32
    %dma_start3A_83 = tpu.memref_slice %arg7[%dma_start3A_74, %dma_start3A_75, %dma_start3A_82] : memref<50x4x128xi32, #tpu.memory_space<vmem>> -> memref<1x1x128xi32, #tpu.memory_space<vmem>>
    %dma_start3A_84 = tpu.memref_squeeze %dma_start3A_83 : memref<1x1x128xi32, #tpu.memory_space<vmem>> -> memref<128xi32, #tpu.memory_space<vmem>>
    %dma_start3A_85 = arith.constant 0 : i32
    %dma_start3A_86 = arith.constant 0 : i32
    %dma_start3A_87 = tpu.memref_slice %arg11[%dma_start3A_85, %dma_start3A_86] : memref<128x128xf32, #tpu.memory_space<vmem_shared>> -> memref<128x128xf32, #tpu.memory_space<vmem_shared>>
    tpu.enqueue_indirect_dma source(%dma_start3A_87 : memref<128x128xf32, #tpu.memory_space<vmem_shared>>) target(%dma_start3A_81 : memref<128x128xf32, #tpu.memory_space<vmem>>) offsets(%dma_start3A_84 : memref<128xi32, #tpu.memory_space<vmem>>) semaphore(%arg13 : memref<!tpu.dma_semaphore, #tpu.memory_space<semaphore_mem>>)
    %scan3A = arith.constant 0 : i32
    %scan3A_88 = arith.constant 0 : i32
    %scan3A_89 = arith.constant 25 : i32
    %scan3A_90 = arith.addi %scan3A_88, %scan3A_89 : i32
    %scan3A_91 = arith.constant 1 : i32
    scf.for %scan3A_194 = %scan3A_88 to %scan3A_90 step %scan3A_91  : i32 {
      %mul3A_195 = arith.constant 2 : i32
      %mul3A_196 = arith.muli %mul3A_195, %scan3A_194 : i32
      %add3A_197 = arith.constant 0 : i32
      %add3A_198 = arith.addi %mul3A_196, %add3A_197 : i32
      %dma_wait3A_199 = arith.constant 1 : i32
      %dma_wait3A_200 = arith.constant 0 : i32
      %dma_wait3A_201 = arith.constant 0 : i32
      %dma_wait3A_202 = arith.constant 0 : i32
      %dma_wait3A_203 = arith.constant 0 : i32
      %dma_wait3A_204 = tpu.memref_slice %arg8[%dma_wait3A_200, %dma_wait3A_201, %dma_wait3A_202, %dma_wait3A_203] : memref<2x3x128x128xf32, #tpu.memory_space<vmem>> -> memref<1x1x128x128xf32, #tpu.memory_space<vmem>>
      %dma_wait3A_205 = tpu.memref_squeeze %dma_wait3A_204 : memref<1x1x128x128xf32, #tpu.memory_space<vmem>> -> memref<128x128xf32, #tpu.memory_space<vmem>>
      %dma_wait3A_206 = arith.constant 0 : i32
      %dma_wait3A_207 = tpu.memref_slice %arg7[%add3A_198, %dma_wait3A_199, %dma_wait3A_206] : memref<50x4x128xi32, #tpu.memory_space<vmem>> -> memref<1x1x128xi32, #tpu.memory_space<vmem>>
      %dma_wait3A_208 = tpu.memref_squeeze %dma_wait3A_207 : memref<1x1x128xi32, #tpu.memory_space<vmem>> -> memref<128xi32, #tpu.memory_space<vmem>>
      %dma_wait3A_209 = arith.constant 0 : i32
      %dma_wait3A_210 = arith.constant 0 : i32
      %dma_wait3A_211 = tpu.memref_slice %arg9[%dma_wait3A_209, %dma_wait3A_210] : memref<128x128xf32, #tpu.memory_space<vmem_shared>> -> memref<128x128xf32, #tpu.memory_space<vmem_shared>>
      tpu.wait_indirect_dma semaphore(%arg12 : memref<!tpu.dma_semaphore, #tpu.memory_space<semaphore_mem>>) src(%dma_wait3A_211 : memref<128x128xf32, #tpu.memory_space<vmem_shared>>) dst(%dma_wait3A_205 : memref<128x128xf32, #tpu.memory_space<vmem>>)
      %dma_wait3A_212 = arith.constant 2 : i32
      %dma_wait3A_213 = arith.constant 0 : i32
      %dma_wait3A_214 = arith.constant 1 : i32
      %dma_wait3A_215 = arith.constant 0 : i32
      %dma_wait3A_216 = arith.constant 0 : i32
      %dma_wait3A_217 = tpu.memref_slice %arg8[%dma_wait3A_213, %dma_wait3A_214, %dma_wait3A_215, %dma_wait3A_216] : memref<2x3x128x128xf32, #tpu.memory_space<vmem>> -> memref<1x1x128x128xf32, #tpu.memory_space<vmem>>
      %dma_wait3A_218 = tpu.memref_squeeze %dma_wait3A_217 : memref<1x1x128x128xf32, #tpu.memory_space<vmem>> -> memref<128x128xf32, #tpu.memory_space<vmem>>
      %dma_wait3A_219 = arith.constant 0 : i32
      %dma_wait3A_220 = tpu.memref_slice %arg7[%add3A_198, %dma_wait3A_212, %dma_wait3A_219] : memref<50x4x128xi32, #tpu.memory_space<vmem>> -> memref<1x1x128xi32, #tpu.memory_space<vmem>>
      %dma_wait3A_221 = tpu.memref_squeeze %dma_wait3A_220 : memref<1x1x128xi32, #tpu.memory_space<vmem>> -> memref<128xi32, #tpu.memory_space<vmem>>
      %dma_wait3A_222 = arith.constant 0 : i32
      %dma_wait3A_223 = arith.constant 0 : i32
      %dma_wait3A_224 = tpu.memref_slice %arg10[%dma_wait3A_222, %dma_wait3A_223] : memref<64x128xf32, #tpu.memory_space<vmem_shared>> -> memref<64x128xf32, #tpu.memory_space<vmem_shared>>
      tpu.wait_indirect_dma semaphore(%arg12 : memref<!tpu.dma_semaphore, #tpu.memory_space<semaphore_mem>>) src(%dma_wait3A_224 : memref<64x128xf32, #tpu.memory_space<vmem_shared>>) dst(%dma_wait3A_218 : memref<128x128xf32, #tpu.memory_space<vmem>>)
      %dma_wait3A_225 = arith.constant 3 : i32
      %dma_wait3A_226 = arith.constant 0 : i32
      %dma_wait3A_227 = arith.constant 2 : i32
      %dma_wait3A_228 = arith.constant 0 : i32
      %dma_wait3A_229 = arith.constant 0 : i32
      %dma_wait3A_230 = tpu.memref_slice %arg8[%dma_wait3A_226, %dma_wait3A_227, %dma_wait3A_228, %dma_wait3A_229] : memref<2x3x128x128xf32, #tpu.memory_space<vmem>> -> memref<1x1x128x128xf32, #tpu.memory_space<vmem>>
      %dma_wait3A_231 = tpu.memref_squeeze %dma_wait3A_230 : memref<1x1x128x128xf32, #tpu.memory_space<vmem>> -> memref<128x128xf32, #tpu.memory_space<vmem>>
      %dma_wait3A_232 = arith.constant 0 : i32
      %dma_wait3A_233 = tpu.memref_slice %arg7[%add3A_198, %dma_wait3A_225, %dma_wait3A_232] : memref<50x4x128xi32, #tpu.memory_space<vmem>> -> memref<1x1x128xi32, #tpu.memory_space<vmem>>
      %dma_wait3A_234 = tpu.memref_squeeze %dma_wait3A_233 : memref<1x1x128xi32, #tpu.memory_space<vmem>> -> memref<128xi32, #tpu.memory_space<vmem>>
      %dma_wait3A_235 = arith.constant 0 : i32
      %dma_wait3A_236 = arith.constant 0 : i32
      %dma_wait3A_237 = tpu.memref_slice %arg11[%dma_wait3A_235, %dma_wait3A_236] : memref<128x128xf32, #tpu.memory_space<vmem_shared>> -> memref<128x128xf32, #tpu.memory_space<vmem_shared>>
      tpu.wait_indirect_dma semaphore(%arg12 : memref<!tpu.dma_semaphore, #tpu.memory_space<semaphore_mem>>) src(%dma_wait3A_237 : memref<128x128xf32, #tpu.memory_space<vmem_shared>>) dst(%dma_wait3A_231 : memref<128x128xf32, #tpu.memory_space<vmem>>)
      %dma_start3A_238 = arith.constant 0 : i32
      %dma_start3A_239 = arith.constant 0 : i32
      %dma_start3A_240 = arith.constant 0 : i32
      %dma_start3A_241 = arith.constant 0 : i32
      %dma_start3A_242 = tpu.memref_slice %arg8[%dma_start3A_238, %dma_start3A_239, %dma_start3A_240, %dma_start3A_241] : memref<2x3x128x128xf32, #tpu.memory_space<vmem>> -> memref<1x1x128x128xf32, #tpu.memory_space<vmem>>
      %dma_start3A_243 = tpu.memref_squeeze %dma_start3A_242 : memref<1x1x128x128xf32, #tpu.memory_space<vmem>> -> memref<128x128xf32, #tpu.memory_space<vmem>>
      %dma_start3A_244 = arith.constant 0 : i32
      %dma_start3A_245 = tpu.memref_slice %arg6[%add3A_198, %mul3A_2, %dma_start3A_244] : memref<50x4096x384xf32, #tpu.memory_space<hbm>> -> memref<1x128x128xf32, #tpu.memory_space<hbm>>
      %dma_start3A_246 = tpu.memref_squeeze %dma_start3A_245 : memref<1x128x128xf32, #tpu.memory_space<hbm>> -> memref<128x128xf32, #tpu.memory_space<hbm>>
      %dma_start3A_247 = arith.constant 0 : i32
      %dma_start3A_248 = tpu.memref_slice %arg6[%add3A_198, %mul3A_2, %dma_start3A_247] : memref<50x4096x384xf32, #tpu.memory_space<hbm>> -> memref<1x128x128xf32, #tpu.memory_space<hbm>>
      %dma_start3A_249 = tpu.memref_squeeze %dma_start3A_248 : memref<1x128x128xf32, #tpu.memory_space<hbm>> -> memref<128x128xf32, #tpu.memory_space<hbm>>
      %dma_start3A_250 = arith.constant 0 : i32
      %dma_start3A_251 = arith.constant 0 : i32
      %dma_start3A_252 = tpu.memref_slice %arg8[%dma_start3A_238, %dma_start3A_239, %dma_start3A_250, %dma_start3A_251] : memref<2x3x128x128xf32, #tpu.memory_space<vmem>> -> memref<1x1x128x128xf32, #tpu.memory_space<vmem>>
      %dma_start3A_253 = tpu.memref_squeeze %dma_start3A_252 : memref<1x1x128x128xf32, #tpu.memory_space<vmem>> -> memref<128x128xf32, #tpu.memory_space<vmem>>
      tpu.enqueue_dma source(%dma_start3A_253 : memref<128x128xf32, #tpu.memory_space<vmem>>) target(%dma_start3A_249 : memref<128x128xf32, #tpu.memory_space<hbm>>) target_semaphore(%arg14 : memref<!tpu.dma_semaphore, #tpu.memory_space<semaphore_mem>>)
      %dma_start3A_254 = arith.constant 0 : i32
      %dma_start3A_255 = arith.constant 1 : i32
      %dma_start3A_256 = arith.constant 0 : i32
      %dma_start3A_257 = arith.constant 0 : i32
      %dma_start3A_258 = tpu.memref_slice %arg8[%dma_start3A_254, %dma_start3A_255, %dma_start3A_256, %dma_start3A_257] : memref<2x3x128x128xf32, #tpu.memory_space<vmem>> -> memref<1x1x128x128xf32, #tpu.memory_space<vmem>>
      %dma_start3A_259 = tpu.memref_squeeze %dma_start3A_258 : memref<1x1x128x128xf32, #tpu.memory_space<vmem>> -> memref<128x128xf32, #tpu.memory_space<vmem>>
      %dma_start3A_260 = arith.constant 128 : i32
      %dma_start3A_261 = tpu.memref_slice %arg6[%add3A_198, %mul3A_2, %dma_start3A_260] : memref<50x4096x384xf32, #tpu.memory_space<hbm>> -> memref<1x128x128xf32, #tpu.memory_space<hbm>>
      %dma_start3A_262 = tpu.memref_squeeze %dma_start3A_261 : memref<1x128x128xf32, #tpu.memory_space<hbm>> -> memref<128x128xf32, #tpu.memory_space<hbm>>
      %dma_start3A_263 = arith.constant 128 : i32
      %dma_start3A_264 = tpu.memref_slice %arg6[%add3A_198, %mul3A_2, %dma_start3A_263] : memref<50x4096x384xf32, #tpu.memory_space<hbm>> -> memref<1x128x128xf32, #tpu.memory_space<hbm>>
      %dma_start3A_265 = tpu.memref_squeeze %dma_start3A_264 : memref<1x128x128xf32, #tpu.memory_space<hbm>> -> memref<128x128xf32, #tpu.memory_space<hbm>>
      %dma_start3A_266 = arith.constant 0 : i32
      %dma_start3A_267 = arith.constant 0 : i32
      %dma_start3A_268 = tpu.memref_slice %arg8[%dma_start3A_254, %dma_start3A_255, %dma_start3A_266, %dma_start3A_267] : memref<2x3x128x128xf32, #tpu.memory_space<vmem>> -> memref<1x1x128x128xf32, #tpu.memory_space<vmem>>
      %dma_start3A_269 = tpu.memref_squeeze %dma_start3A_268 : memref<1x1x128x128xf32, #tpu.memory_space<vmem>> -> memref<128x128xf32, #tpu.memory_space<vmem>>
      tpu.enqueue_dma source(%dma_start3A_269 : memref<128x128xf32, #tpu.memory_space<vmem>>) target(%dma_start3A_265 : memref<128x128xf32, #tpu.memory_space<hbm>>) target_semaphore(%arg14 : memref<!tpu.dma_semaphore, #tpu.memory_space<semaphore_mem>>)
      %dma_start3A_270 = arith.constant 0 : i32
      %dma_start3A_271 = arith.constant 2 : i32
      %dma_start3A_272 = arith.constant 0 : i32
      %dma_start3A_273 = arith.constant 0 : i32
      %dma_start3A_274 = tpu.memref_slice %arg8[%dma_start3A_270, %dma_start3A_271, %dma_start3A_272, %dma_start3A_273] : memref<2x3x128x128xf32, #tpu.memory_space<vmem>> -> memref<1x1x128x128xf32, #tpu.memory_space<vmem>>
      %dma_start3A_275 = tpu.memref_squeeze %dma_start3A_274 : memref<1x1x128x128xf32, #tpu.memory_space<vmem>> -> memref<128x128xf32, #tpu.memory_space<vmem>>
      %dma_start3A_276 = arith.constant 256 : i32
      %dma_start3A_277 = tpu.memref_slice %arg6[%add3A_198, %mul3A_2, %dma_start3A_276] : memref<50x4096x384xf32, #tpu.memory_space<hbm>> -> memref<1x128x128xf32, #tpu.memory_space<hbm>>
      %dma_start3A_278 = tpu.memref_squeeze %dma_start3A_277 : memref<1x128x128xf32, #tpu.memory_space<hbm>> -> memref<128x128xf32, #tpu.memory_space<hbm>>
      %dma_start3A_279 = arith.constant 256 : i32
      %dma_start3A_280 = tpu.memref_slice %arg6[%add3A_198, %mul3A_2, %dma_start3A_279] : memref<50x4096x384xf32, #tpu.memory_space<hbm>> -> memref<1x128x128xf32, #tpu.memory_space<hbm>>
      %dma_start3A_281 = tpu.memref_squeeze %dma_start3A_280 : memref<1x128x128xf32, #tpu.memory_space<hbm>> -> memref<128x128xf32, #tpu.memory_space<hbm>>
      %dma_start3A_282 = arith.constant 0 : i32
      %dma_start3A_283 = arith.constant 0 : i32
      %dma_start3A_284 = tpu.memref_slice %arg8[%dma_start3A_270, %dma_start3A_271, %dma_start3A_282, %dma_start3A_283] : memref<2x3x128x128xf32, #tpu.memory_space<vmem>> -> memref<1x1x128x128xf32, #tpu.memory_space<vmem>>
      %dma_start3A_285 = tpu.memref_squeeze %dma_start3A_284 : memref<1x1x128x128xf32, #tpu.memory_space<vmem>> -> memref<128x128xf32, #tpu.memory_space<vmem>>
      tpu.enqueue_dma source(%dma_start3A_285 : memref<128x128xf32, #tpu.memory_space<vmem>>) target(%dma_start3A_281 : memref<128x128xf32, #tpu.memory_space<hbm>>) target_semaphore(%arg14 : memref<!tpu.dma_semaphore, #tpu.memory_space<semaphore_mem>>)
      %add3A_286 = arith.constant 2 : i32
      %add3A_287 = arith.addi %add3A_198, %add3A_286 : i32
      %lt3A = arith.constant 50 : i32
      %lt3A_288 = arith.cmpi slt, %add3A_287, %lt3A : i32
      %convert_element_type3A_289 = arith.extui %lt3A_288 : i1 to i32
      %cond3A_290 = arith.constant 0 : i32
      %cond3A_291 = arith.cmpi ne, %convert_element_type3A_289, %cond3A_290 : i32
      scf.if %cond3A_291 {
        %dma_wait3A_390 = arith.constant 0 : i32
        %dma_wait3A_391 = arith.constant 0 : i32
        %dma_wait3A_392 = arith.constant 0 : i32
        %dma_wait3A_393 = arith.constant 0 : i32
        %dma_wait3A_394 = tpu.memref_slice %arg8[%dma_wait3A_390, %dma_wait3A_391, %dma_wait3A_392, %dma_wait3A_393] : memref<2x3x128x128xf32, #tpu.memory_space<vmem>> -> memref<1x1x128x128xf32, #tpu.memory_space<vmem>>
        %dma_wait3A_395 = tpu.memref_squeeze %dma_wait3A_394 : memref<1x1x128x128xf32, #tpu.memory_space<vmem>> -> memref<128x128xf32, #tpu.memory_space<vmem>>
        %dma_wait3A_396 = arith.constant 0 : i32
        %dma_wait3A_397 = tpu.memref_slice %arg6[%add3A_198, %mul3A_2, %dma_wait3A_396] : memref<50x4096x384xf32, #tpu.memory_space<hbm>> -> memref<1x128x128xf32, #tpu.memory_space<hbm>>
        %dma_wait3A_398 = tpu.memref_squeeze %dma_wait3A_397 : memref<1x128x128xf32, #tpu.memory_space<hbm>> -> memref<128x128xf32, #tpu.memory_space<hbm>>
        %dma_wait3A_399 = arith.constant 0 : i32
        %dma_wait3A_400 = tpu.memref_slice %arg6[%add3A_198, %mul3A_2, %dma_wait3A_399] : memref<50x4096x384xf32, #tpu.memory_space<hbm>> -> memref<1x128x128xf32, #tpu.memory_space<hbm>>
        %dma_wait3A_401 = tpu.memref_squeeze %dma_wait3A_400 : memref<1x128x128xf32, #tpu.memory_space<hbm>> -> memref<128x128xf32, #tpu.memory_space<hbm>>
        %dma_wait3A_402 = arith.constant 0 : i32
        %dma_wait3A_403 = arith.constant 0 : i32
        %dma_wait3A_404 = tpu.memref_slice %arg8[%dma_wait3A_390, %dma_wait3A_391, %dma_wait3A_402, %dma_wait3A_403] : memref<2x3x128x128xf32, #tpu.memory_space<vmem>> -> memref<1x1x128x128xf32, #tpu.memory_space<vmem>>
        %dma_wait3A_405 = tpu.memref_squeeze %dma_wait3A_404 : memref<1x1x128x128xf32, #tpu.memory_space<vmem>> -> memref<128x128xf32, #tpu.memory_space<vmem>>
        tpu.wait_dma2 semaphore(%arg14 : memref<!tpu.dma_semaphore, #tpu.memory_space<semaphore_mem>>) src(%dma_wait3A_405 : memref<128x128xf32, #tpu.memory_space<vmem>>) dst(%dma_wait3A_401 : memref<128x128xf32, #tpu.memory_space<hbm>>)
        %dma_wait3A_406 = arith.constant 0 : i32
        %dma_wait3A_407 = arith.constant 1 : i32
        %dma_wait3A_408 = arith.constant 0 : i32
        %dma_wait3A_409 = arith.constant 0 : i32
        %dma_wait3A_410 = tpu.memref_slice %arg8[%dma_wait3A_406, %dma_wait3A_407, %dma_wait3A_408, %dma_wait3A_409] : memref<2x3x128x128xf32, #tpu.memory_space<vmem>> -> memref<1x1x128x128xf32, #tpu.memory_space<vmem>>
        %dma_wait3A_411 = tpu.memref_squeeze %dma_wait3A_410 : memref<1x1x128x128xf32, #tpu.memory_space<vmem>> -> memref<128x128xf32, #tpu.memory_space<vmem>>
        %dma_wait3A_412 = arith.constant 128 : i32
        %dma_wait3A_413 = tpu.memref_slice %arg6[%add3A_198, %mul3A_2, %dma_wait3A_412] : memref<50x4096x384xf32, #tpu.memory_space<hbm>> -> memref<1x128x128xf32, #tpu.memory_space<hbm>>
        %dma_wait3A_414 = tpu.memref_squeeze %dma_wait3A_413 : memref<1x128x128xf32, #tpu.memory_space<hbm>> -> memref<128x128xf32, #tpu.memory_space<hbm>>
        %dma_wait3A_415 = arith.constant 128 : i32
        %dma_wait3A_416 = tpu.memref_slice %arg6[%add3A_198, %mul3A_2, %dma_wait3A_415] : memref<50x4096x384xf32, #tpu.memory_space<hbm>> -> memref<1x128x128xf32, #tpu.memory_space<hbm>>
        %dma_wait3A_417 = tpu.memref_squeeze %dma_wait3A_416 : memref<1x128x128xf32, #tpu.memory_space<hbm>> -> memref<128x128xf32, #tpu.memory_space<hbm>>
        %dma_wait3A_418 = arith.constant 0 : i32
        %dma_wait3A_419 = arith.constant 0 : i32
        %dma_wait3A_420 = tpu.memref_slice %arg8[%dma_wait3A_406, %dma_wait3A_407, %dma_wait3A_418, %dma_wait3A_419] : memref<2x3x128x128xf32, #tpu.memory_space<vmem>> -> memref<1x1x128x128xf32, #tpu.memory_space<vmem>>
        %dma_wait3A_421 = tpu.memref_squeeze %dma_wait3A_420 : memref<1x1x128x128xf32, #tpu.memory_space<vmem>> -> memref<128x128xf32, #tpu.memory_space<vmem>>
        tpu.wait_dma2 semaphore(%arg14 : memref<!tpu.dma_semaphore, #tpu.memory_space<semaphore_mem>>) src(%dma_wait3A_421 : memref<128x128xf32, #tpu.memory_space<vmem>>) dst(%dma_wait3A_417 : memref<128x128xf32, #tpu.memory_space<hbm>>)
        %dma_wait3A_422 = arith.constant 0 : i32
        %dma_wait3A_423 = arith.constant 2 : i32
        %dma_wait3A_424 = arith.constant 0 : i32
        %dma_wait3A_425 = arith.constant 0 : i32
        %dma_wait3A_426 = tpu.memref_slice %arg8[%dma_wait3A_422, %dma_wait3A_423, %dma_wait3A_424, %dma_wait3A_425] : memref<2x3x128x128xf32, #tpu.memory_space<vmem>> -> memref<1x1x128x128xf32, #tpu.memory_space<vmem>>
        %dma_wait3A_427 = tpu.memref_squeeze %dma_wait3A_426 : memref<1x1x128x128xf32, #tpu.memory_space<vmem>> -> memref<128x128xf32, #tpu.memory_space<vmem>>
        %dma_wait3A_428 = arith.constant 256 : i32
        %dma_wait3A_429 = tpu.memref_slice %arg6[%add3A_198, %mul3A_2, %dma_wait3A_428] : memref<50x4096x384xf32, #tpu.memory_space<hbm>> -> memref<1x128x128xf32, #tpu.memory_space<hbm>>
        %dma_wait3A_430 = tpu.memref_squeeze %dma_wait3A_429 : memref<1x128x128xf32, #tpu.memory_space<hbm>> -> memref<128x128xf32, #tpu.memory_space<hbm>>
        %dma_wait3A_431 = arith.constant 256 : i32
        %dma_wait3A_432 = tpu.memref_slice %arg6[%add3A_198, %mul3A_2, %dma_wait3A_431] : memref<50x4096x384xf32, #tpu.memory_space<hbm>> -> memref<1x128x128xf32, #tpu.memory_space<hbm>>
        %dma_wait3A_433 = tpu.memref_squeeze %dma_wait3A_432 : memref<1x128x128xf32, #tpu.memory_space<hbm>> -> memref<128x128xf32, #tpu.memory_space<hbm>>
        %dma_wait3A_434 = arith.constant 0 : i32
        %dma_wait3A_435 = arith.constant 0 : i32
        %dma_wait3A_436 = tpu.memref_slice %arg8[%dma_wait3A_422, %dma_wait3A_423, %dma_wait3A_434, %dma_wait3A_435] : memref<2x3x128x128xf32, #tpu.memory_space<vmem>> -> memref<1x1x128x128xf32, #tpu.memory_space<vmem>>
        %dma_wait3A_437 = tpu.memref_squeeze %dma_wait3A_436 : memref<1x1x128x128xf32, #tpu.memory_space<vmem>> -> memref<128x128xf32, #tpu.memory_space<vmem>>
        tpu.wait_dma2 semaphore(%arg14 : memref<!tpu.dma_semaphore, #tpu.memory_space<semaphore_mem>>) src(%dma_wait3A_437 : memref<128x128xf32, #tpu.memory_space<vmem>>) dst(%dma_wait3A_433 : memref<128x128xf32, #tpu.memory_space<hbm>>)
        %add3A_438 = arith.constant 2 : i32
        %add3A_439 = arith.addi %add3A_198, %add3A_438 : i32
        %dma_start3A_440 = arith.constant 1 : i32
        %dma_start3A_441 = arith.constant 0 : i32
        %dma_start3A_442 = arith.constant 0 : i32
        %dma_start3A_443 = arith.constant 0 : i32
        %dma_start3A_444 = arith.constant 0 : i32
        %dma_start3A_445 = tpu.memref_slice %arg8[%dma_start3A_441, %dma_start3A_442, %dma_start3A_443, %dma_start3A_444] : memref<2x3x128x128xf32, #tpu.memory_space<vmem>> -> memref<1x1x128x128xf32, #tpu.memory_space<vmem>>
        %dma_start3A_446 = tpu.memref_squeeze %dma_start3A_445 : memref<1x1x128x128xf32, #tpu.memory_space<vmem>> -> memref<128x128xf32, #tpu.memory_space<vmem>>
        %dma_start3A_447 = arith.constant 0 : i32
        %dma_start3A_448 = tpu.memref_slice %arg7[%add3A_439, %dma_start3A_440, %dma_start3A_447] : memref<50x4x128xi32, #tpu.memory_space<vmem>> -> memref<1x1x128xi32, #tpu.memory_space<vmem>>
        %dma_start3A_449 = tpu.memref_squeeze %dma_start3A_448 : memref<1x1x128xi32, #tpu.memory_space<vmem>> -> memref<128xi32, #tpu.memory_space<vmem>>
        %dma_start3A_450 = arith.constant 0 : i32
        %dma_start3A_451 = arith.constant 0 : i32
        %dma_start3A_452 = tpu.memref_slice %arg9[%dma_start3A_450, %dma_start3A_451] : memref<128x128xf32, #tpu.memory_space<vmem_shared>> -> memref<128x128xf32, #tpu.memory_space<vmem_shared>>
        tpu.enqueue_indirect_dma source(%dma_start3A_452 : memref<128x128xf32, #tpu.memory_space<vmem_shared>>) target(%dma_start3A_446 : memref<128x128xf32, #tpu.memory_space<vmem>>) offsets(%dma_start3A_449 : memref<128xi32, #tpu.memory_space<vmem>>) semaphore(%arg12 : memref<!tpu.dma_semaphore, #tpu.memory_space<semaphore_mem>>)
        %dma_start3A_453 = arith.constant 2 : i32
        %dma_start3A_454 = arith.constant 0 : i32
        %dma_start3A_455 = arith.constant 1 : i32
        %dma_start3A_456 = arith.constant 0 : i32
        %dma_start3A_457 = arith.constant 0 : i32
        %dma_start3A_458 = tpu.memref_slice %arg8[%dma_start3A_454, %dma_start3A_455, %dma_start3A_456, %dma_start3A_457] : memref<2x3x128x128xf32, #tpu.memory_space<vmem>> -> memref<1x1x128x128xf32, #tpu.memory_space<vmem>>
        %dma_start3A_459 = tpu.memref_squeeze %dma_start3A_458 : memref<1x1x128x128xf32, #tpu.memory_space<vmem>> -> memref<128x128xf32, #tpu.memory_space<vmem>>
        %dma_start3A_460 = arith.constant 0 : i32
        %dma_start3A_461 = tpu.memref_slice %arg7[%add3A_439, %dma_start3A_453, %dma_start3A_460] : memref<50x4x128xi32, #tpu.memory_space<vmem>> -> memref<1x1x128xi32, #tpu.memory_space<vmem>>
        %dma_start3A_462 = tpu.memref_squeeze %dma_start3A_461 : memref<1x1x128xi32, #tpu.memory_space<vmem>> -> memref<128xi32, #tpu.memory_space<vmem>>
        %dma_start3A_463 = arith.constant 0 : i32
        %dma_start3A_464 = arith.constant 0 : i32
        %dma_start3A_465 = tpu.memref_slice %arg10[%dma_start3A_463, %dma_start3A_464] : memref<64x128xf32, #tpu.memory_space<vmem_shared>> -> memref<64x128xf32, #tpu.memory_space<vmem_shared>>
        tpu.enqueue_indirect_dma source(%dma_start3A_465 : memref<64x128xf32, #tpu.memory_space<vmem_shared>>) target(%dma_start3A_459 : memref<128x128xf32, #tpu.memory_space<vmem>>) offsets(%dma_start3A_462 : memref<128xi32, #tpu.memory_space<vmem>>) semaphore(%arg12 : memref<!tpu.dma_semaphore, #tpu.memory_space<semaphore_mem>>)
        %dma_start3A_466 = arith.constant 3 : i32
        %dma_start3A_467 = arith.constant 0 : i32
        %dma_start3A_468 = arith.constant 2 : i32
        %dma_start3A_469 = arith.constant 0 : i32
        %dma_start3A_470 = arith.constant 0 : i32
        %dma_start3A_471 = tpu.memref_slice %arg8[%dma_start3A_467, %dma_start3A_468, %dma_start3A_469, %dma_start3A_470] : memref<2x3x128x128xf32, #tpu.memory_space<vmem>> -> memref<1x1x128x128xf32, #tpu.memory_space<vmem>>
        %dma_start3A_472 = tpu.memref_squeeze %dma_start3A_471 : memref<1x1x128x128xf32, #tpu.memory_space<vmem>> -> memref<128x128xf32, #tpu.memory_space<vmem>>
        %dma_start3A_473 = arith.constant 0 : i32
        %dma_start3A_474 = tpu.memref_slice %arg7[%add3A_439, %dma_start3A_466, %dma_start3A_473] : memref<50x4x128xi32, #tpu.memory_space<vmem>> -> memref<1x1x128xi32, #tpu.memory_space<vmem>>
        %dma_start3A_475 = tpu.memref_squeeze %dma_start3A_474 : memref<1x1x128xi32, #tpu.memory_space<vmem>> -> memref<128xi32, #tpu.memory_space<vmem>>
        %dma_start3A_476 = arith.constant 0 : i32
        %dma_start3A_477 = arith.constant 0 : i32
        %dma_start3A_478 = tpu.memref_slice %arg11[%dma_start3A_476, %dma_start3A_477] : memref<128x128xf32, #tpu.memory_space<vmem_shared>> -> memref<128x128xf32, #tpu.memory_space<vmem_shared>>
        tpu.enqueue_indirect_dma source(%dma_start3A_478 : memref<128x128xf32, #tpu.memory_space<vmem_shared>>) target(%dma_start3A_472 : memref<128x128xf32, #tpu.memory_space<vmem>>) offsets(%dma_start3A_475 : memref<128xi32, #tpu.memory_space<vmem>>) semaphore(%arg12 : memref<!tpu.dma_semaphore, #tpu.memory_space<semaphore_mem>>)
      } else {
      }
      %mul3A_292 = arith.constant 2 : i32
      %mul3A_293 = arith.muli %mul3A_292, %scan3A_194 : i32
      %add3A_294 = arith.constant 1 : i32
      %add3A_295 = arith.addi %mul3A_293, %add3A_294 : i32
      %dma_wait3A_296 = arith.constant 1 : i32
      %dma_wait3A_297 = arith.constant 1 : i32
      %dma_wait3A_298 = arith.constant 0 : i32
      %dma_wait3A_299 = arith.constant 0 : i32
      %dma_wait3A_300 = arith.constant 0 : i32
      %dma_wait3A_301 = tpu.memref_slice %arg8[%dma_wait3A_297, %dma_wait3A_298, %dma_wait3A_299, %dma_wait3A_300] : memref<2x3x128x128xf32, #tpu.memory_space<vmem>> -> memref<1x1x128x128xf32, #tpu.memory_space<vmem>>
      %dma_wait3A_302 = tpu.memref_squeeze %dma_wait3A_301 : memref<1x1x128x128xf32, #tpu.memory_space<vmem>> -> memref<128x128xf32, #tpu.memory_space<vmem>>
      %dma_wait3A_303 = arith.constant 0 : i32
      %dma_wait3A_304 = tpu.memref_slice %arg7[%add3A_295, %dma_wait3A_296, %dma_wait3A_303] : memref<50x4x128xi32, #tpu.memory_space<vmem>> -> memref<1x1x128xi32, #tpu.memory_space<vmem>>
      %dma_wait3A_305 = tpu.memref_squeeze %dma_wait3A_304 : memref<1x1x128xi32, #tpu.memory_space<vmem>> -> memref<128xi32, #tpu.memory_space<vmem>>
      %dma_wait3A_306 = arith.constant 0 : i32
      %dma_wait3A_307 = arith.constant 0 : i32
      %dma_wait3A_308 = tpu.memref_slice %arg9[%dma_wait3A_306, %dma_wait3A_307] : memref<128x128xf32, #tpu.memory_space<vmem_shared>> -> memref<128x128xf32, #tpu.memory_space<vmem_shared>>
      tpu.wait_indirect_dma semaphore(%arg13 : memref<!tpu.dma_semaphore, #tpu.memory_space<semaphore_mem>>) src(%dma_wait3A_308 : memref<128x128xf32, #tpu.memory_space<vmem_shared>>) dst(%dma_wait3A_302 : memref<128x128xf32, #tpu.memory_space<vmem>>)
      %dma_wait3A_309 = arith.constant 2 : i32
      %dma_wait3A_310 = arith.constant 1 : i32
      %dma_wait3A_311 = arith.constant 1 : i32
      %dma_wait3A_312 = arith.constant 0 : i32
      %dma_wait3A_313 = arith.constant 0 : i32
      %dma_wait3A_314 = tpu.memref_slice %arg8[%dma_wait3A_310, %dma_wait3A_311, %dma_wait3A_312, %dma_wait3A_313] : memref<2x3x128x128xf32, #tpu.memory_space<vmem>> -> memref<1x1x128x128xf32, #tpu.memory_space<vmem>>
      %dma_wait3A_315 = tpu.memref_squeeze %dma_wait3A_314 : memref<1x1x128x128xf32, #tpu.memory_space<vmem>> -> memref<128x128xf32, #tpu.memory_space<vmem>>
      %dma_wait3A_316 = arith.constant 0 : i32
      %dma_wait3A_317 = tpu.memref_slice %arg7[%add3A_295, %dma_wait3A_309, %dma_wait3A_316] : memref<50x4x128xi32, #tpu.memory_space<vmem>> -> memref<1x1x128xi32, #tpu.memory_space<vmem>>
      %dma_wait3A_318 = tpu.memref_squeeze %dma_wait3A_317 : memref<1x1x128xi32, #tpu.memory_space<vmem>> -> memref<128xi32, #tpu.memory_space<vmem>>
      %dma_wait3A_319 = arith.constant 0 : i32
      %dma_wait3A_320 = arith.constant 0 : i32
      %dma_wait3A_321 = tpu.memref_slice %arg10[%dma_wait3A_319, %dma_wait3A_320] : memref<64x128xf32, #tpu.memory_space<vmem_shared>> -> memref<64x128xf32, #tpu.memory_space<vmem_shared>>
      tpu.wait_indirect_dma semaphore(%arg13 : memref<!tpu.dma_semaphore, #tpu.memory_space<semaphore_mem>>) src(%dma_wait3A_321 : memref<64x128xf32, #tpu.memory_space<vmem_shared>>) dst(%dma_wait3A_315 : memref<128x128xf32, #tpu.memory_space<vmem>>)
      %dma_wait3A_322 = arith.constant 3 : i32
      %dma_wait3A_323 = arith.constant 1 : i32
      %dma_wait3A_324 = arith.constant 2 : i32
      %dma_wait3A_325 = arith.constant 0 : i32
      %dma_wait3A_326 = arith.constant 0 : i32
      %dma_wait3A_327 = tpu.memref_slice %arg8[%dma_wait3A_323, %dma_wait3A_324, %dma_wait3A_325, %dma_wait3A_326] : memref<2x3x128x128xf32, #tpu.memory_space<vmem>> -> memref<1x1x128x128xf32, #tpu.memory_space<vmem>>
      %dma_wait3A_328 = tpu.memref_squeeze %dma_wait3A_327 : memref<1x1x128x128xf32, #tpu.memory_space<vmem>> -> memref<128x128xf32, #tpu.memory_space<vmem>>
      %dma_wait3A_329 = arith.constant 0 : i32
      %dma_wait3A_330 = tpu.memref_slice %arg7[%add3A_295, %dma_wait3A_322, %dma_wait3A_329] : memref<50x4x128xi32, #tpu.memory_space<vmem>> -> memref<1x1x128xi32, #tpu.memory_space<vmem>>
      %dma_wait3A_331 = tpu.memref_squeeze %dma_wait3A_330 : memref<1x1x128xi32, #tpu.memory_space<vmem>> -> memref<128xi32, #tpu.memory_space<vmem>>
      %dma_wait3A_332 = arith.constant 0 : i32
      %dma_wait3A_333 = arith.constant 0 : i32
      %dma_wait3A_334 = tpu.memref_slice %arg11[%dma_wait3A_332, %dma_wait3A_333] : memref<128x128xf32, #tpu.memory_space<vmem_shared>> -> memref<128x128xf32, #tpu.memory_space<vmem_shared>>
      tpu.wait_indirect_dma semaphore(%arg13 : memref<!tpu.dma_semaphore, #tpu.memory_space<semaphore_mem>>) src(%dma_wait3A_334 : memref<128x128xf32, #tpu.memory_space<vmem_shared>>) dst(%dma_wait3A_328 : memref<128x128xf32, #tpu.memory_space<vmem>>)
      %dma_start3A_335 = arith.constant 1 : i32
      %dma_start3A_336 = arith.constant 0 : i32
      %dma_start3A_337 = arith.constant 0 : i32
      %dma_start3A_338 = arith.constant 0 : i32
      %dma_start3A_339 = tpu.memref_slice %arg8[%dma_start3A_335, %dma_start3A_336, %dma_start3A_337, %dma_start3A_338] : memref<2x3x128x128xf32, #tpu.memory_space<vmem>> -> memref<1x1x128x128xf32, #tpu.memory_space<vmem>>
      %dma_start3A_340 = tpu.memref_squeeze %dma_start3A_339 : memref<1x1x128x128xf32, #tpu.memory_space<vmem>> -> memref<128x128xf32, #tpu.memory_space<vmem>>
      %dma_start3A_341 = arith.constant 0 : i32
      %dma_start3A_342 = tpu.memref_slice %arg6[%add3A_295, %mul3A_2, %dma_start3A_341] : memref<50x4096x384xf32, #tpu.memory_space<hbm>> -> memref<1x128x128xf32, #tpu.memory_space<hbm>>
      %dma_start3A_343 = tpu.memref_squeeze %dma_start3A_342 : memref<1x128x128xf32, #tpu.memory_space<hbm>> -> memref<128x128xf32, #tpu.memory_space<hbm>>
      %dma_start3A_344 = arith.constant 0 : i32
      %dma_start3A_345 = tpu.memref_slice %arg6[%add3A_295, %mul3A_2, %dma_start3A_344] : memref<50x4096x384xf32, #tpu.memory_space<hbm>> -> memref<1x128x128xf32, #tpu.memory_space<hbm>>
      %dma_start3A_346 = tpu.memref_squeeze %dma_start3A_345 : memref<1x128x128xf32, #tpu.memory_space<hbm>> -> memref<128x128xf32, #tpu.memory_space<hbm>>
      %dma_start3A_347 = arith.constant 0 : i32
      %dma_start3A_348 = arith.constant 0 : i32
      %dma_start3A_349 = tpu.memref_slice %arg8[%dma_start3A_335, %dma_start3A_336, %dma_start3A_347, %dma_start3A_348] : memref<2x3x128x128xf32, #tpu.memory_space<vmem>> -> memref<1x1x128x128xf32, #tpu.memory_space<vmem>>
      %dma_start3A_350 = tpu.memref_squeeze %dma_start3A_349 : memref<1x1x128x128xf32, #tpu.memory_space<vmem>> -> memref<128x128xf32, #tpu.memory_space<vmem>>
      tpu.enqueue_dma source(%dma_start3A_350 : memref<128x128xf32, #tpu.memory_space<vmem>>) target(%dma_start3A_346 : memref<128x128xf32, #tpu.memory_space<hbm>>) target_semaphore(%arg15 : memref<!tpu.dma_semaphore, #tpu.memory_space<semaphore_mem>>)
      %dma_start3A_351 = arith.constant 1 : i32
      %dma_start3A_352 = arith.constant 1 : i32
      %dma_start3A_353 = arith.constant 0 : i32
      %dma_start3A_354 = arith.constant 0 : i32
      %dma_start3A_355 = tpu.memref_slice %arg8[%dma_start3A_351, %dma_start3A_352, %dma_start3A_353, %dma_start3A_354] : memref<2x3x128x128xf32, #tpu.memory_space<vmem>> -> memref<1x1x128x128xf32, #tpu.memory_space<vmem>>
      %dma_start3A_356 = tpu.memref_squeeze %dma_start3A_355 : memref<1x1x128x128xf32, #tpu.memory_space<vmem>> -> memref<128x128xf32, #tpu.memory_space<vmem>>
      %dma_start3A_357 = arith.constant 128 : i32
      %dma_start3A_358 = tpu.memref_slice %arg6[%add3A_295, %mul3A_2, %dma_start3A_357] : memref<50x4096x384xf32, #tpu.memory_space<hbm>> -> memref<1x128x128xf32, #tpu.memory_space<hbm>>
      %dma_start3A_359 = tpu.memref_squeeze %dma_start3A_358 : memref<1x128x128xf32, #tpu.memory_space<hbm>> -> memref<128x128xf32, #tpu.memory_space<hbm>>
      %dma_start3A_360 = arith.constant 128 : i32
      %dma_start3A_361 = tpu.memref_slice %arg6[%add3A_295, %mul3A_2, %dma_start3A_360] : memref<50x4096x384xf32, #tpu.memory_space<hbm>> -> memref<1x128x128xf32, #tpu.memory_space<hbm>>
      %dma_start3A_362 = tpu.memref_squeeze %dma_start3A_361 : memref<1x128x128xf32, #tpu.memory_space<hbm>> -> memref<128x128xf32, #tpu.memory_space<hbm>>
      %dma_start3A_363 = arith.constant 0 : i32
      %dma_start3A_364 = arith.constant 0 : i32
      %dma_start3A_365 = tpu.memref_slice %arg8[%dma_start3A_351, %dma_start3A_352, %dma_start3A_363, %dma_start3A_364] : memref<2x3x128x128xf32, #tpu.memory_space<vmem>> -> memref<1x1x128x128xf32, #tpu.memory_space<vmem>>
      %dma_start3A_366 = tpu.memref_squeeze %dma_start3A_365 : memref<1x1x128x128xf32, #tpu.memory_space<vmem>> -> memref<128x128xf32, #tpu.memory_space<vmem>>
      tpu.enqueue_dma source(%dma_start3A_366 : memref<128x128xf32, #tpu.memory_space<vmem>>) target(%dma_start3A_362 : memref<128x128xf32, #tpu.memory_space<hbm>>) target_semaphore(%arg15 : memref<!tpu.dma_semaphore, #tpu.memory_space<semaphore_mem>>)
      %dma_start3A_367 = arith.constant 1 : i32
      %dma_start3A_368 = arith.constant 2 : i32
      %dma_start3A_369 = arith.constant 0 : i32
      %dma_start3A_370 = arith.constant 0 : i32
      %dma_start3A_371 = tpu.memref_slice %arg8[%dma_start3A_367, %dma_start3A_368, %dma_start3A_369, %dma_start3A_370] : memref<2x3x128x128xf32, #tpu.memory_space<vmem>> -> memref<1x1x128x128xf32, #tpu.memory_space<vmem>>
      %dma_start3A_372 = tpu.memref_squeeze %dma_start3A_371 : memref<1x1x128x128xf32, #tpu.memory_space<vmem>> -> memref<128x128xf32, #tpu.memory_space<vmem>>
      %dma_start3A_373 = arith.constant 256 : i32
      %dma_start3A_374 = tpu.memref_slice %arg6[%add3A_295, %mul3A_2, %dma_start3A_373] : memref<50x4096x384xf32, #tpu.memory_space<hbm>> -> memref<1x128x128xf32, #tpu.memory_space<hbm>>
      %dma_start3A_375 = tpu.memref_squeeze %dma_start3A_374 : memref<1x128x128xf32, #tpu.memory_space<hbm>> -> memref<128x128xf32, #tpu.memory_space<hbm>>
      %dma_start3A_376 = arith.constant 256 : i32
      %dma_start3A_377 = tpu.memref_slice %arg6[%add3A_295, %mul3A_2, %dma_start3A_376] : memref<50x4096x384xf32, #tpu.memory_space<hbm>> -> memref<1x128x128xf32, #tpu.memory_space<hbm>>
      %dma_start3A_378 = tpu.memref_squeeze %dma_start3A_377 : memref<1x128x128xf32, #tpu.memory_space<hbm>> -> memref<128x128xf32, #tpu.memory_space<hbm>>
      %dma_start3A_379 = arith.constant 0 : i32
      %dma_start3A_380 = arith.constant 0 : i32
      %dma_start3A_381 = tpu.memref_slice %arg8[%dma_start3A_367, %dma_start3A_368, %dma_start3A_379, %dma_start3A_380] : memref<2x3x128x128xf32, #tpu.memory_space<vmem>> -> memref<1x1x128x128xf32, #tpu.memory_space<vmem>>
      %dma_start3A_382 = tpu.memref_squeeze %dma_start3A_381 : memref<1x1x128x128xf32, #tpu.memory_space<vmem>> -> memref<128x128xf32, #tpu.memory_space<vmem>>
      tpu.enqueue_dma source(%dma_start3A_382 : memref<128x128xf32, #tpu.memory_space<vmem>>) target(%dma_start3A_378 : memref<128x128xf32, #tpu.memory_space<hbm>>) target_semaphore(%arg15 : memref<!tpu.dma_semaphore, #tpu.memory_space<semaphore_mem>>)
      %add3A_383 = arith.constant 2 : i32
      %add3A_384 = arith.addi %add3A_295, %add3A_383 : i32
      %lt3A_385 = arith.constant 50 : i32
      %lt3A_386 = arith.cmpi slt, %add3A_384, %lt3A_385 : i32
      %convert_element_type3A_387 = arith.extui %lt3A_386 : i1 to i32
      %cond3A_388 = arith.constant 0 : i32
      %cond3A_389 = arith.cmpi ne, %convert_element_type3A_387, %cond3A_388 : i32
      scf.if %cond3A_389 {
        %dma_wait3A_390 = arith.constant 1 : i32
        %dma_wait3A_391 = arith.constant 0 : i32
        %dma_wait3A_392 = arith.constant 0 : i32
        %dma_wait3A_393 = arith.constant 0 : i32
        %dma_wait3A_394 = tpu.memref_slice %arg8[%dma_wait3A_390, %dma_wait3A_391, %dma_wait3A_392, %dma_wait3A_393] : memref<2x3x128x128xf32, #tpu.memory_space<vmem>> -> memref<1x1x128x128xf32, #tpu.memory_space<vmem>>
        %dma_wait3A_395 = tpu.memref_squeeze %dma_wait3A_394 : memref<1x1x128x128xf32, #tpu.memory_space<vmem>> -> memref<128x128xf32, #tpu.memory_space<vmem>>
        %dma_wait3A_396 = arith.constant 0 : i32
        %dma_wait3A_397 = tpu.memref_slice %arg6[%add3A_295, %mul3A_2, %dma_wait3A_396] : memref<50x4096x384xf32, #tpu.memory_space<hbm>> -> memref<1x128x128xf32, #tpu.memory_space<hbm>>
        %dma_wait3A_398 = tpu.memref_squeeze %dma_wait3A_397 : memref<1x128x128xf32, #tpu.memory_space<hbm>> -> memref<128x128xf32, #tpu.memory_space<hbm>>
        %dma_wait3A_399 = arith.constant 0 : i32
        %dma_wait3A_400 = tpu.memref_slice %arg6[%add3A_295, %mul3A_2, %dma_wait3A_399] : memref<50x4096x384xf32, #tpu.memory_space<hbm>> -> memref<1x128x128xf32, #tpu.memory_space<hbm>>
        %dma_wait3A_401 = tpu.memref_squeeze %dma_wait3A_400 : memref<1x128x128xf32, #tpu.memory_space<hbm>> -> memref<128x128xf32, #tpu.memory_space<hbm>>
        %dma_wait3A_402 = arith.constant 0 : i32
        %dma_wait3A_403 = arith.constant 0 : i32
        %dma_wait3A_404 = tpu.memref_slice %arg8[%dma_wait3A_390, %dma_wait3A_391, %dma_wait3A_402, %dma_wait3A_403] : memref<2x3x128x128xf32, #tpu.memory_space<vmem>> -> memref<1x1x128x128xf32, #tpu.memory_space<vmem>>
        %dma_wait3A_405 = tpu.memref_squeeze %dma_wait3A_404 : memref<1x1x128x128xf32, #tpu.memory_space<vmem>> -> memref<128x128xf32, #tpu.memory_space<vmem>>
        tpu.wait_dma2 semaphore(%arg15 : memref<!tpu.dma_semaphore, #tpu.memory_space<semaphore_mem>>) src(%dma_wait3A_405 : memref<128x128xf32, #tpu.memory_space<vmem>>) dst(%dma_wait3A_401 : memref<128x128xf32, #tpu.memory_space<hbm>>)
        %dma_wait3A_406 = arith.constant 1 : i32
        %dma_wait3A_407 = arith.constant 1 : i32
        %dma_wait3A_408 = arith.constant 0 : i32
        %dma_wait3A_409 = arith.constant 0 : i32
        %dma_wait3A_410 = tpu.memref_slice %arg8[%dma_wait3A_406, %dma_wait3A_407, %dma_wait3A_408, %dma_wait3A_409] : memref<2x3x128x128xf32, #tpu.memory_space<vmem>> -> memref<1x1x128x128xf32, #tpu.memory_space<vmem>>
        %dma_wait3A_411 = tpu.memref_squeeze %dma_wait3A_410 : memref<1x1x128x128xf32, #tpu.memory_space<vmem>> -> memref<128x128xf32, #tpu.memory_space<vmem>>
        %dma_wait3A_412 = arith.constant 128 : i32
        %dma_wait3A_413 = tpu.memref_slice %arg6[%add3A_295, %mul3A_2, %dma_wait3A_412] : memref<50x4096x384xf32, #tpu.memory_space<hbm>> -> memref<1x128x128xf32, #tpu.memory_space<hbm>>
        %dma_wait3A_414 = tpu.memref_squeeze %dma_wait3A_413 : memref<1x128x128xf32, #tpu.memory_space<hbm>> -> memref<128x128xf32, #tpu.memory_space<hbm>>
        %dma_wait3A_415 = arith.constant 128 : i32
        %dma_wait3A_416 = tpu.memref_slice %arg6[%add3A_295, %mul3A_2, %dma_wait3A_415] : memref<50x4096x384xf32, #tpu.memory_space<hbm>> -> memref<1x128x128xf32, #tpu.memory_space<hbm>>
        %dma_wait3A_417 = tpu.memref_squeeze %dma_wait3A_416 : memref<1x128x128xf32, #tpu.memory_space<hbm>> -> memref<128x128xf32, #tpu.memory_space<hbm>>
        %dma_wait3A_418 = arith.constant 0 : i32
        %dma_wait3A_419 = arith.constant 0 : i32
        %dma_wait3A_420 = tpu.memref_slice %arg8[%dma_wait3A_406, %dma_wait3A_407, %dma_wait3A_418, %dma_wait3A_419] : memref<2x3x128x128xf32, #tpu.memory_space<vmem>> -> memref<1x1x128x128xf32, #tpu.memory_space<vmem>>
        %dma_wait3A_421 = tpu.memref_squeeze %dma_wait3A_420 : memref<1x1x128x128xf32, #tpu.memory_space<vmem>> -> memref<128x128xf32, #tpu.memory_space<vmem>>
        tpu.wait_dma2 semaphore(%arg15 : memref<!tpu.dma_semaphore, #tpu.memory_space<semaphore_mem>>) src(%dma_wait3A_421 : memref<128x128xf32, #tpu.memory_space<vmem>>) dst(%dma_wait3A_417 : memref<128x128xf32, #tpu.memory_space<hbm>>)
        %dma_wait3A_422 = arith.constant 1 : i32
        %dma_wait3A_423 = arith.constant 2 : i32
        %dma_wait3A_424 = arith.constant 0 : i32
        %dma_wait3A_425 = arith.constant 0 : i32
        %dma_wait3A_426 = tpu.memref_slice %arg8[%dma_wait3A_422, %dma_wait3A_423, %dma_wait3A_424, %dma_wait3A_425] : memref<2x3x128x128xf32, #tpu.memory_space<vmem>> -> memref<1x1x128x128xf32, #tpu.memory_space<vmem>>
        %dma_wait3A_427 = tpu.memref_squeeze %dma_wait3A_426 : memref<1x1x128x128xf32, #tpu.memory_space<vmem>> -> memref<128x128xf32, #tpu.memory_space<vmem>>
        %dma_wait3A_428 = arith.constant 256 : i32
        %dma_wait3A_429 = tpu.memref_slice %arg6[%add3A_295, %mul3A_2, %dma_wait3A_428] : memref<50x4096x384xf32, #tpu.memory_space<hbm>> -> memref<1x128x128xf32, #tpu.memory_space<hbm>>
        %dma_wait3A_430 = tpu.memref_squeeze %dma_wait3A_429 : memref<1x128x128xf32, #tpu.memory_space<hbm>> -> memref<128x128xf32, #tpu.memory_space<hbm>>
        %dma_wait3A_431 = arith.constant 256 : i32
        %dma_wait3A_432 = tpu.memref_slice %arg6[%add3A_295, %mul3A_2, %dma_wait3A_431] : memref<50x4096x384xf32, #tpu.memory_space<hbm>> -> memref<1x128x128xf32, #tpu.memory_space<hbm>>
        %dma_wait3A_433 = tpu.memref_squeeze %dma_wait3A_432 : memref<1x128x128xf32, #tpu.memory_space<hbm>> -> memref<128x128xf32, #tpu.memory_space<hbm>>
        %dma_wait3A_434 = arith.constant 0 : i32
        %dma_wait3A_435 = arith.constant 0 : i32
        %dma_wait3A_436 = tpu.memref_slice %arg8[%dma_wait3A_422, %dma_wait3A_423, %dma_wait3A_434, %dma_wait3A_435] : memref<2x3x128x128xf32, #tpu.memory_space<vmem>> -> memref<1x1x128x128xf32, #tpu.memory_space<vmem>>
        %dma_wait3A_437 = tpu.memref_squeeze %dma_wait3A_436 : memref<1x1x128x128xf32, #tpu.memory_space<vmem>> -> memref<128x128xf32, #tpu.memory_space<vmem>>
        tpu.wait_dma2 semaphore(%arg15 : memref<!tpu.dma_semaphore, #tpu.memory_space<semaphore_mem>>) src(%dma_wait3A_437 : memref<128x128xf32, #tpu.memory_space<vmem>>) dst(%dma_wait3A_433 : memref<128x128xf32, #tpu.memory_space<hbm>>)
        %add3A_438 = arith.constant 2 : i32
        %add3A_439 = arith.addi %add3A_295, %add3A_438 : i32
        %dma_start3A_440 = arith.constant 1 : i32
        %dma_start3A_441 = arith.constant 1 : i32
        %dma_start3A_442 = arith.constant 0 : i32
        %dma_start3A_443 = arith.constant 0 : i32
        %dma_start3A_444 = arith.constant 0 : i32
        %dma_start3A_445 = tpu.memref_slice %arg8[%dma_start3A_441, %dma_start3A_442, %dma_start3A_443, %dma_start3A_444] : memref<2x3x128x128xf32, #tpu.memory_space<vmem>> -> memref<1x1x128x128xf32, #tpu.memory_space<vmem>>
        %dma_start3A_446 = tpu.memref_squeeze %dma_start3A_445 : memref<1x1x128x128xf32, #tpu.memory_space<vmem>> -> memref<128x128xf32, #tpu.memory_space<vmem>>
        %dma_start3A_447 = arith.constant 0 : i32
        %dma_start3A_448 = tpu.memref_slice %arg7[%add3A_439, %dma_start3A_440, %dma_start3A_447] : memref<50x4x128xi32, #tpu.memory_space<vmem>> -> memref<1x1x128xi32, #tpu.memory_space<vmem>>
        %dma_start3A_449 = tpu.memref_squeeze %dma_start3A_448 : memref<1x1x128xi32, #tpu.memory_space<vmem>> -> memref<128xi32, #tpu.memory_space<vmem>>
        %dma_start3A_450 = arith.constant 0 : i32
        %dma_start3A_451 = arith.constant 0 : i32
        %dma_start3A_452 = tpu.memref_slice %arg9[%dma_start3A_450, %dma_start3A_451] : memref<128x128xf32, #tpu.memory_space<vmem_shared>> -> memref<128x128xf32, #tpu.memory_space<vmem_shared>>
        tpu.enqueue_indirect_dma source(%dma_start3A_452 : memref<128x128xf32, #tpu.memory_space<vmem_shared>>) target(%dma_start3A_446 : memref<128x128xf32, #tpu.memory_space<vmem>>) offsets(%dma_start3A_449 : memref<128xi32, #tpu.memory_space<vmem>>) semaphore(%arg13 : memref<!tpu.dma_semaphore, #tpu.memory_space<semaphore_mem>>)
        %dma_start3A_453 = arith.constant 2 : i32
        %dma_start3A_454 = arith.constant 1 : i32
        %dma_start3A_455 = arith.constant 1 : i32
        %dma_start3A_456 = arith.constant 0 : i32
        %dma_start3A_457 = arith.constant 0 : i32
        %dma_start3A_458 = tpu.memref_slice %arg8[%dma_start3A_454, %dma_start3A_455, %dma_start3A_456, %dma_start3A_457] : memref<2x3x128x128xf32, #tpu.memory_space<vmem>> -> memref<1x1x128x128xf32, #tpu.memory_space<vmem>>
        %dma_start3A_459 = tpu.memref_squeeze %dma_start3A_458 : memref<1x1x128x128xf32, #tpu.memory_space<vmem>> -> memref<128x128xf32, #tpu.memory_space<vmem>>
        %dma_start3A_460 = arith.constant 0 : i32
        %dma_start3A_461 = tpu.memref_slice %arg7[%add3A_439, %dma_start3A_453, %dma_start3A_460] : memref<50x4x128xi32, #tpu.memory_space<vmem>> -> memref<1x1x128xi32, #tpu.memory_space<vmem>>
        %dma_start3A_462 = tpu.memref_squeeze %dma_start3A_461 : memref<1x1x128xi32, #tpu.memory_space<vmem>> -> memref<128xi32, #tpu.memory_space<vmem>>
        %dma_start3A_463 = arith.constant 0 : i32
        %dma_start3A_464 = arith.constant 0 : i32
        %dma_start3A_465 = tpu.memref_slice %arg10[%dma_start3A_463, %dma_start3A_464] : memref<64x128xf32, #tpu.memory_space<vmem_shared>> -> memref<64x128xf32, #tpu.memory_space<vmem_shared>>
        tpu.enqueue_indirect_dma source(%dma_start3A_465 : memref<64x128xf32, #tpu.memory_space<vmem_shared>>) target(%dma_start3A_459 : memref<128x128xf32, #tpu.memory_space<vmem>>) offsets(%dma_start3A_462 : memref<128xi32, #tpu.memory_space<vmem>>) semaphore(%arg13 : memref<!tpu.dma_semaphore, #tpu.memory_space<semaphore_mem>>)
        %dma_start3A_466 = arith.constant 3 : i32
        %dma_start3A_467 = arith.constant 1 : i32
        %dma_start3A_468 = arith.constant 2 : i32
        %dma_start3A_469 = arith.constant 0 : i32
        %dma_start3A_470 = arith.constant 0 : i32
        %dma_start3A_471 = tpu.memref_slice %arg8[%dma_start3A_467, %dma_start3A_468, %dma_start3A_469, %dma_start3A_470] : memref<2x3x128x128xf32, #tpu.memory_space<vmem>> -> memref<1x1x128x128xf32, #tpu.memory_space<vmem>>
        %dma_start3A_472 = tpu.memref_squeeze %dma_start3A_471 : memref<1x1x128x128xf32, #tpu.memory_space<vmem>> -> memref<128x128xf32, #tpu.memory_space<vmem>>
        %dma_start3A_473 = arith.constant 0 : i32
        %dma_start3A_474 = tpu.memref_slice %arg7[%add3A_439, %dma_start3A_466, %dma_start3A_473] : memref<50x4x128xi32, #tpu.memory_space<vmem>> -> memref<1x1x128xi32, #tpu.memory_space<vmem>>
        %dma_start3A_475 = tpu.memref_squeeze %dma_start3A_474 : memref<1x1x128xi32, #tpu.memory_space<vmem>> -> memref<128xi32, #tpu.memory_space<vmem>>
        %dma_start3A_476 = arith.constant 0 : i32
        %dma_start3A_477 = arith.constant 0 : i32
        %dma_start3A_478 = tpu.memref_slice %arg11[%dma_start3A_476, %dma_start3A_477] : memref<128x128xf32, #tpu.memory_space<vmem_shared>> -> memref<128x128xf32, #tpu.memory_space<vmem_shared>>
        tpu.enqueue_indirect_dma source(%dma_start3A_478 : memref<128x128xf32, #tpu.memory_space<vmem_shared>>) target(%dma_start3A_472 : memref<128x128xf32, #tpu.memory_space<vmem>>) offsets(%dma_start3A_475 : memref<128xi32, #tpu.memory_space<vmem>>) semaphore(%arg13 : memref<!tpu.dma_semaphore, #tpu.memory_space<semaphore_mem>>)
      } else {
      }
    }
    %scan3A_92 = arith.constant 25 : i32
    %dma_wait3A = arith.constant 0 : i32
    %dma_wait3A_93 = arith.constant 0 : i32
    %dma_wait3A_94 = arith.constant 48 : i32
    %dma_wait3A_95 = arith.constant 0 : i32
    %dma_wait3A_96 = arith.constant 0 : i32
    %dma_wait3A_97 = tpu.memref_slice %arg8[%dma_wait3A, %dma_wait3A_93, %dma_wait3A_95, %dma_wait3A_96] : memref<2x3x128x128xf32, #tpu.memory_space<vmem>> -> memref<1x1x128x128xf32, #tpu.memory_space<vmem>>
    %dma_wait3A_98 = tpu.memref_squeeze %dma_wait3A_97 : memref<1x1x128x128xf32, #tpu.memory_space<vmem>> -> memref<128x128xf32, #tpu.memory_space<vmem>>
    %dma_wait3A_99 = arith.constant 0 : i32
    %dma_wait3A_100 = tpu.memref_slice %arg6[%dma_wait3A_94, %mul3A_2, %dma_wait3A_99] : memref<50x4096x384xf32, #tpu.memory_space<hbm>> -> memref<1x128x128xf32, #tpu.memory_space<hbm>>
    %dma_wait3A_101 = tpu.memref_squeeze %dma_wait3A_100 : memref<1x128x128xf32, #tpu.memory_space<hbm>> -> memref<128x128xf32, #tpu.memory_space<hbm>>
    %dma_wait3A_102 = arith.constant 0 : i32
    %dma_wait3A_103 = tpu.memref_slice %arg6[%dma_wait3A_94, %mul3A_2, %dma_wait3A_102] : memref<50x4096x384xf32, #tpu.memory_space<hbm>> -> memref<1x128x128xf32, #tpu.memory_space<hbm>>
    %dma_wait3A_104 = tpu.memref_squeeze %dma_wait3A_103 : memref<1x128x128xf32, #tpu.memory_space<hbm>> -> memref<128x128xf32, #tpu.memory_space<hbm>>
    %dma_wait3A_105 = arith.constant 0 : i32
    %dma_wait3A_106 = arith.constant 0 : i32
    %dma_wait3A_107 = tpu.memref_slice %arg8[%dma_wait3A, %dma_wait3A_93, %dma_wait3A_105, %dma_wait3A_106] : memref<2x3x128x128xf32, #tpu.memory_space<vmem>> -> memref<1x1x128x128xf32, #tpu.memory_space<vmem>>
    %dma_wait3A_108 = tpu.memref_squeeze %dma_wait3A_107 : memref<1x1x128x128xf32, #tpu.memory_space<vmem>> -> memref<128x128xf32, #tpu.memory_space<vmem>>
    tpu.wait_dma2 semaphore(%arg14 : memref<!tpu.dma_semaphore, #tpu.memory_space<semaphore_mem>>) src(%dma_wait3A_108 : memref<128x128xf32, #tpu.memory_space<vmem>>) dst(%dma_wait3A_104 : memref<128x128xf32, #tpu.memory_space<hbm>>)
    %dma_wait3A_109 = arith.constant 0 : i32
    %dma_wait3A_110 = arith.constant 1 : i32
    %dma_wait3A_111 = arith.constant 48 : i32
    %dma_wait3A_112 = arith.constant 0 : i32
    %dma_wait3A_113 = arith.constant 0 : i32
    %dma_wait3A_114 = tpu.memref_slice %arg8[%dma_wait3A_109, %dma_wait3A_110, %dma_wait3A_112, %dma_wait3A_113] : memref<2x3x128x128xf32, #tpu.memory_space<vmem>> -> memref<1x1x128x128xf32, #tpu.memory_space<vmem>>
    %dma_wait3A_115 = tpu.memref_squeeze %dma_wait3A_114 : memref<1x1x128x128xf32, #tpu.memory_space<vmem>> -> memref<128x128xf32, #tpu.memory_space<vmem>>
    %dma_wait3A_116 = arith.constant 128 : i32
    %dma_wait3A_117 = tpu.memref_slice %arg6[%dma_wait3A_111, %mul3A_2, %dma_wait3A_116] : memref<50x4096x384xf32, #tpu.memory_space<hbm>> -> memref<1x128x128xf32, #tpu.memory_space<hbm>>
    %dma_wait3A_118 = tpu.memref_squeeze %dma_wait3A_117 : memref<1x128x128xf32, #tpu.memory_space<hbm>> -> memref<128x128xf32, #tpu.memory_space<hbm>>
    %dma_wait3A_119 = arith.constant 128 : i32
    %dma_wait3A_120 = tpu.memref_slice %arg6[%dma_wait3A_111, %mul3A_2, %dma_wait3A_119] : memref<50x4096x384xf32, #tpu.memory_space<hbm>> -> memref<1x128x128xf32, #tpu.memory_space<hbm>>
    %dma_wait3A_121 = tpu.memref_squeeze %dma_wait3A_120 : memref<1x128x128xf32, #tpu.memory_space<hbm>> -> memref<128x128xf32, #tpu.memory_space<hbm>>
    %dma_wait3A_122 = arith.constant 0 : i32
    %dma_wait3A_123 = arith.constant 0 : i32
    %dma_wait3A_124 = tpu.memref_slice %arg8[%dma_wait3A_109, %dma_wait3A_110, %dma_wait3A_122, %dma_wait3A_123] : memref<2x3x128x128xf32, #tpu.memory_space<vmem>> -> memref<1x1x128x128xf32, #tpu.memory_space<vmem>>
    %dma_wait3A_125 = tpu.memref_squeeze %dma_wait3A_124 : memref<1x1x128x128xf32, #tpu.memory_space<vmem>> -> memref<128x128xf32, #tpu.memory_space<vmem>>
    tpu.wait_dma2 semaphore(%arg14 : memref<!tpu.dma_semaphore, #tpu.memory_space<semaphore_mem>>) src(%dma_wait3A_125 : memref<128x128xf32, #tpu.memory_space<vmem>>) dst(%dma_wait3A_121 : memref<128x128xf32, #tpu.memory_space<hbm>>)
    %dma_wait3A_126 = arith.constant 0 : i32
    %dma_wait3A_127 = arith.constant 2 : i32
    %dma_wait3A_128 = arith.constant 48 : i32
    %dma_wait3A_129 = arith.constant 0 : i32
    %dma_wait3A_130 = arith.constant 0 : i32
    %dma_wait3A_131 = tpu.memref_slice %arg8[%dma_wait3A_126, %dma_wait3A_127, %dma_wait3A_129, %dma_wait3A_130] : memref<2x3x128x128xf32, #tpu.memory_space<vmem>> -> memref<1x1x128x128xf32, #tpu.memory_space<vmem>>
    %dma_wait3A_132 = tpu.memref_squeeze %dma_wait3A_131 : memref<1x1x128x128xf32, #tpu.memory_space<vmem>> -> memref<128x128xf32, #tpu.memory_space<vmem>>
    %dma_wait3A_133 = arith.constant 256 : i32
    %dma_wait3A_134 = tpu.memref_slice %arg6[%dma_wait3A_128, %mul3A_2, %dma_wait3A_133] : memref<50x4096x384xf32, #tpu.memory_space<hbm>> -> memref<1x128x128xf32, #tpu.memory_space<hbm>>
    %dma_wait3A_135 = tpu.memref_squeeze %dma_wait3A_134 : memref<1x128x128xf32, #tpu.memory_space<hbm>> -> memref<128x128xf32, #tpu.memory_space<hbm>>
    %dma_wait3A_136 = arith.constant 256 : i32
    %dma_wait3A_137 = tpu.memref_slice %arg6[%dma_wait3A_128, %mul3A_2, %dma_wait3A_136] : memref<50x4096x384xf32, #tpu.memory_space<hbm>> -> memref<1x128x128xf32, #tpu.memory_space<hbm>>
    %dma_wait3A_138 = tpu.memref_squeeze %dma_wait3A_137 : memref<1x128x128xf32, #tpu.memory_space<hbm>> -> memref<128x128xf32, #tpu.memory_space<hbm>>
    %dma_wait3A_139 = arith.constant 0 : i32
    %dma_wait3A_140 = arith.constant 0 : i32
    %dma_wait3A_141 = tpu.memref_slice %arg8[%dma_wait3A_126, %dma_wait3A_127, %dma_wait3A_139, %dma_wait3A_140] : memref<2x3x128x128xf32, #tpu.memory_space<vmem>> -> memref<1x1x128x128xf32, #tpu.memory_space<vmem>>
    %dma_wait3A_142 = tpu.memref_squeeze %dma_wait3A_141 : memref<1x1x128x128xf32, #tpu.memory_space<vmem>> -> memref<128x128xf32, #tpu.memory_space<vmem>>
    tpu.wait_dma2 semaphore(%arg14 : memref<!tpu.dma_semaphore, #tpu.memory_space<semaphore_mem>>) src(%dma_wait3A_142 : memref<128x128xf32, #tpu.memory_space<vmem>>) dst(%dma_wait3A_138 : memref<128x128xf32, #tpu.memory_space<hbm>>)
    %dma_wait3A_143 = arith.constant 1 : i32
    %dma_wait3A_144 = arith.constant 0 : i32
    %dma_wait3A_145 = arith.constant 49 : i32
    %dma_wait3A_146 = arith.constant 0 : i32
    %dma_wait3A_147 = arith.constant 0 : i32
    %dma_wait3A_148 = tpu.memref_slice %arg8[%dma_wait3A_143, %dma_wait3A_144, %dma_wait3A_146, %dma_wait3A_147] : memref<2x3x128x128xf32, #tpu.memory_space<vmem>> -> memref<1x1x128x128xf32, #tpu.memory_space<vmem>>
    %dma_wait3A_149 = tpu.memref_squeeze %dma_wait3A_148 : memref<1x1x128x128xf32, #tpu.memory_space<vmem>> -> memref<128x128xf32, #tpu.memory_space<vmem>>
    %dma_wait3A_150 = arith.constant 0 : i32
    %dma_wait3A_151 = tpu.memref_slice %arg6[%dma_wait3A_145, %mul3A_2, %dma_wait3A_150] : memref<50x4096x384xf32, #tpu.memory_space<hbm>> -> memref<1x128x128xf32, #tpu.memory_space<hbm>>
    %dma_wait3A_152 = tpu.memref_squeeze %dma_wait3A_151 : memref<1x128x128xf32, #tpu.memory_space<hbm>> -> memref<128x128xf32, #tpu.memory_space<hbm>>
    %dma_wait3A_153 = arith.constant 0 : i32
    %dma_wait3A_154 = tpu.memref_slice %arg6[%dma_wait3A_145, %mul3A_2, %dma_wait3A_153] : memref<50x4096x384xf32, #tpu.memory_space<hbm>> -> memref<1x128x128xf32, #tpu.memory_space<hbm>>
    %dma_wait3A_155 = tpu.memref_squeeze %dma_wait3A_154 : memref<1x128x128xf32, #tpu.memory_space<hbm>> -> memref<128x128xf32, #tpu.memory_space<hbm>>
    %dma_wait3A_156 = arith.constant 0 : i32
    %dma_wait3A_157 = arith.constant 0 : i32
    %dma_wait3A_158 = tpu.memref_slice %arg8[%dma_wait3A_143, %dma_wait3A_144, %dma_wait3A_156, %dma_wait3A_157] : memref<2x3x128x128xf32, #tpu.memory_space<vmem>> -> memref<1x1x128x128xf32, #tpu.memory_space<vmem>>
    %dma_wait3A_159 = tpu.memref_squeeze %dma_wait3A_158 : memref<1x1x128x128xf32, #tpu.memory_space<vmem>> -> memref<128x128xf32, #tpu.memory_space<vmem>>
    tpu.wait_dma2 semaphore(%arg15 : memref<!tpu.dma_semaphore, #tpu.memory_space<semaphore_mem>>) src(%dma_wait3A_159 : memref<128x128xf32, #tpu.memory_space<vmem>>) dst(%dma_wait3A_155 : memref<128x128xf32, #tpu.memory_space<hbm>>)
    %dma_wait3A_160 = arith.constant 1 : i32
    %dma_wait3A_161 = arith.constant 1 : i32
    %dma_wait3A_162 = arith.constant 49 : i32
    %dma_wait3A_163 = arith.constant 0 : i32
    %dma_wait3A_164 = arith.constant 0 : i32
    %dma_wait3A_165 = tpu.memref_slice %arg8[%dma_wait3A_160, %dma_wait3A_161, %dma_wait3A_163, %dma_wait3A_164] : memref<2x3x128x128xf32, #tpu.memory_space<vmem>> -> memref<1x1x128x128xf32, #tpu.memory_space<vmem>>
    %dma_wait3A_166 = tpu.memref_squeeze %dma_wait3A_165 : memref<1x1x128x128xf32, #tpu.memory_space<vmem>> -> memref<128x128xf32, #tpu.memory_space<vmem>>
    %dma_wait3A_167 = arith.constant 128 : i32
    %dma_wait3A_168 = tpu.memref_slice %arg6[%dma_wait3A_162, %mul3A_2, %dma_wait3A_167] : memref<50x4096x384xf32, #tpu.memory_space<hbm>> -> memref<1x128x128xf32, #tpu.memory_space<hbm>>
    %dma_wait3A_169 = tpu.memref_squeeze %dma_wait3A_168 : memref<1x128x128xf32, #tpu.memory_space<hbm>> -> memref<128x128xf32, #tpu.memory_space<hbm>>
    %dma_wait3A_170 = arith.constant 128 : i32
    %dma_wait3A_171 = tpu.memref_slice %arg6[%dma_wait3A_162, %mul3A_2, %dma_wait3A_170] : memref<50x4096x384xf32, #tpu.memory_space<hbm>> -> memref<1x128x128xf32, #tpu.memory_space<hbm>>
    %dma_wait3A_172 = tpu.memref_squeeze %dma_wait3A_171 : memref<1x128x128xf32, #tpu.memory_space<hbm>> -> memref<128x128xf32, #tpu.memory_space<hbm>>
    %dma_wait3A_173 = arith.constant 0 : i32
    %dma_wait3A_174 = arith.constant 0 : i32
    %dma_wait3A_175 = tpu.memref_slice %arg8[%dma_wait3A_160, %dma_wait3A_161, %dma_wait3A_173, %dma_wait3A_174] : memref<2x3x128x128xf32, #tpu.memory_space<vmem>> -> memref<1x1x128x128xf32, #tpu.memory_space<vmem>>
    %dma_wait3A_176 = tpu.memref_squeeze %dma_wait3A_175 : memref<1x1x128x128xf32, #tpu.memory_space<vmem>> -> memref<128x128xf32, #tpu.memory_space<vmem>>
    tpu.wait_dma2 semaphore(%arg15 : memref<!tpu.dma_semaphore, #tpu.memory_space<semaphore_mem>>) src(%dma_wait3A_176 : memref<128x128xf32, #tpu.memory_space<vmem>>) dst(%dma_wait3A_172 : memref<128x128xf32, #tpu.memory_space<hbm>>)
    %dma_wait3A_177 = arith.constant 1 : i32
    %dma_wait3A_178 = arith.constant 2 : i32
    %dma_wait3A_179 = arith.constant 49 : i32
    %dma_wait3A_180 = arith.constant 0 : i32
    %dma_wait3A_181 = arith.constant 0 : i32
    %dma_wait3A_182 = tpu.memref_slice %arg8[%dma_wait3A_177, %dma_wait3A_178, %dma_wait3A_180, %dma_wait3A_181] : memref<2x3x128x128xf32, #tpu.memory_space<vmem>> -> memref<1x1x128x128xf32, #tpu.memory_space<vmem>>
    %dma_wait3A_183 = tpu.memref_squeeze %dma_wait3A_182 : memref<1x1x128x128xf32, #tpu.memory_space<vmem>> -> memref<128x128xf32, #tpu.memory_space<vmem>>
    %dma_wait3A_184 = arith.constant 256 : i32
    %dma_wait3A_185 = tpu.memref_slice %arg6[%dma_wait3A_179, %mul3A_2, %dma_wait3A_184] : memref<50x4096x384xf32, #tpu.memory_space<hbm>> -> memref<1x128x128xf32, #tpu.memory_space<hbm>>
    %dma_wait3A_186 = tpu.memref_squeeze %dma_wait3A_185 : memref<1x128x128xf32, #tpu.memory_space<hbm>> -> memref<128x128xf32, #tpu.memory_space<hbm>>
    %dma_wait3A_187 = arith.constant 256 : i32
    %dma_wait3A_188 = tpu.memref_slice %arg6[%dma_wait3A_179, %mul3A_2, %dma_wait3A_187] : memref<50x4096x384xf32, #tpu.memory_space<hbm>> -> memref<1x128x128xf32, #tpu.memory_space<hbm>>
    %dma_wait3A_189 = tpu.memref_squeeze %dma_wait3A_188 : memref<1x128x128xf32, #tpu.memory_space<hbm>> -> memref<128x128xf32, #tpu.memory_space<hbm>>
    %dma_wait3A_190 = arith.constant 0 : i32
    %dma_wait3A_191 = arith.constant 0 : i32
    %dma_wait3A_192 = tpu.memref_slice %arg8[%dma_wait3A_177, %dma_wait3A_178, %dma_wait3A_190, %dma_wait3A_191] : memref<2x3x128x128xf32, #tpu.memory_space<vmem>> -> memref<1x1x128x128xf32, #tpu.memory_space<vmem>>
    %dma_wait3A_193 = tpu.memref_squeeze %dma_wait3A_192 : memref<1x1x128x128xf32, #tpu.memory_space<vmem>> -> memref<128x128xf32, #tpu.memory_space<vmem>>
    tpu.wait_dma2 semaphore(%arg15 : memref<!tpu.dma_semaphore, #tpu.memory_space<semaphore_mem>>) src(%dma_wait3A_193 : memref<128x128xf32, #tpu.memory_space<vmem>>) dst(%dma_wait3A_189 : memref<128x128xf32, #tpu.memory_space<hbm>>)
    return
  }
}

</mosaic_0001>

<sc_bundles>
// kernel: kernel.3.cloned.1.call-start
scs
__scs_entry_jumppad:
0x0: {  	(pc) =	sbr.rel $0x88, $3  }
0x1: {  	(tag) =	ssettag $0x0;
	lr =	simm.s32 $0x1  }
0x2: {  	[smem:$0x3F9D] =	sst lr;
	_ =	strace $0xD0000000  }
0x3: {  	_ = 	snop  }
0x4: {  	_ = 	snop  }
0x5: {  	_ = 	snop  }
0x6: {  	_ = 	snop  }
0x7: {  	_ = 	snop  }
__scs_overlays_trampoline_lowered:
0x8: {  	[smem:$0x3FAC] =	sst s0  }
0x9: {  	[smem:$0x3FAD] =	sst s1  }
0xa: {  	[smem:$0x3FAE] =	sst s2  }
0xb: {  	[smem:$0x3FAF] =	sst s3  }
0xc: {  	[smem:$0x3FB0] =	sst s4  }
0xd: {  	[smem:$0x3FB1] =	sst s5  }
0xe: {  	[smem:$0x3FB2] =	sst s6  }
0xf: {  	[smem:$0x3FB3] =	sst s7  }
0x10: {  	[smem:$0x3FB4] =	sst s8  }
0x11: {  	[smem:$0x3FB5] =	sst s9;
	s0 =	simm.s32 @!p0 $0x0  }
0x12: {  	s1 =	sld [smem:$0x3F9B];
	s0 =	simm.s32 @p0 $0x1  }
0x13: {  	[smem:$0x3FB6] =	sst s0;
	s0 =	simm.s32 @!p1 $0x0  }
0x14: {  	s2 =	sld [smem:$0x3F9A];
	s0 =	simm.s32 @p1 $0x1  }
0x15: {  	[smem:$0x3FB7] =	sst s0;
	s0 =	simm.s32 @!p2 $0x0  }
0x16: {  	s3 =	sld [smem:$0x3FDB];
	s0 =	simm.s32 @p2 $0x1  }
0x17: {  	s4 =	simm.s32 $0x1BF5;
	[smem:$0x3FB9] =	sst s0  }
0x18: {  	s0 =	sld [smem:$0x3F9C];
	_ =	swait.ge [sflag:s4], $0x0  }
0x19: {  	s7 =	sld [smem:$0x3F9D]  }
0x1a: {  	s8 =	sadd.s32 $0xFFFFE003, lr  }
0x1b: {  	s9 =	sadd.s32 $0xFFFFFEF7, lr;
	s5 =	simm.s32 $0xFFFFFFFF;
	p2 =	slt.u32 s8, $0xFFFFF086  }
0x1c: {  	p1 =	slt.u32 s9, $0xF7A;
	s5 =	simm.s32 @!p2 $0x0  }
0x1d: {  	s5 =	simm.s32 @p1 $0x1;
	p0 =	seq.s32 s7, s2  }
0x1e: {  	s7 =	smul.u32 @!p0 $0xF7A, s2;
	p2 =	seq.s32 @!p0 s5, $0x0  }
0x1f: {  	s9 =	smul.u32 $0xF7A, s1;
	s8 =	simm.s32 @!p0 $0x1BF5;
	p2 =	por !p2, p0  }
0x20: {  	[sflag:s8] =	ssyncset.s32 @!p0 $0xFFFFF086;
	s6 =	sadd.s32 @!p0 s3, s7;
	s7 =	simm.s32 @!p0 $0x108  }
0x21: {  	s3 =	sadd.s32 s3, s9;
	s6 =	sadd.s32 @!p0 $0x88, s6;
	s7 =	simm.s32 @p2 $0x1082  }
0x22: {  	[simem:s7], [sflag:s8] =	dma.local @!p0 [hbm:s6], $0xF7A  }
0x23: {  	s9 =	sor.u32 $0xD0000000, s2;
	s6 =	simm.s32 $0x108;
	_ =	swait.ge @!p0 [sflag:s8], $0x0  }
0x24: {  	s3 =	sadd.s32 $0x88, s3;
	s6 =	simm.s32 @!p1 $0x1082;
	[sflag:s4] =	ssyncset.s32 $0xFFFFF086  }
0x25: {  	[simem:s6], [sflag:s4] =	dma.local [hbm:s3], $0xF7A  }
0x26: {  	[smem:$0x3F9D] =	sst s1;
	(tag) =	ssettag s2;
	_ =	strace s9  }
0x27: {  	s1 =	sld [smem:$0x3FAD]  }
0x28: {  	s2 =	sld [smem:$0x3FAE]  }
0x29: {  	s4 =	sld [smem:$0x3FB0]  }
0x2a: {  	p0 =	seq.s32 s5, $0x0;
	s5 =	sld [smem:$0x3FB1]  }
0x2b: {  	s6 =	sld [smem:$0x3FB2]  }
0x2c: {  	s7 =	sld [smem:$0x3FB3]  }
0x2d: {  	s3 =	simm.s32 $0x108;
	s8 =	sld [smem:$0x3FB4]  }
0x2e: {  	s3 =	simm.s32 @!p0 $0x1082;
	s9 =	sld [smem:$0x3FB5]  }
0x2f: {  	lr =	sadd.s32 s0, s3;
	s0 =	sld [smem:$0x3FAC]  }
0x30: {  	s3 =	sld [smem:$0x3FAF]  }
0x31: {  	[smem:$0x3FB8] =	sst s10  }
0x32: {  	s10 =	sld [smem:$0x3FB6];
	_ =	sdelay $0x3  }
0x33: {  	p0 =	seq.s32 s10, $0x1;
	s10 =	sld [smem:$0x3FB8];
	_ =	sdelay $0x3  }
0x34: {  	[smem:$0x3FB8] =	sst s10  }
0x35: {  	s10 =	sld [smem:$0x3FB7];
	_ =	sdelay $0x3  }
0x36: {  	p1 =	seq.s32 s10, $0x1;
	s10 =	sld [smem:$0x3FB8];
	_ =	sdelay $0x3  }
0x37: {  	[smem:$0x3FB8] =	sst s10  }
0x38: {  	s10 =	sld [smem:$0x3FB9]  }
0x39: {  	_ = 	snop;
	(pc) =	sbr.ind lr, $3  }
0x3a: {  	_ = 	snop  }
0x3b: {  	_ = 	snop  }
0x3c: {  	p2 =	seq.s32 s10, $0x1;
	s10 =	sld [smem:$0x3FB8]  }
0x3d: {  	_ =	shalt  }
0x3e: {  	_ =	shalt  }
0x3f: {  	_ =	shalt  }
0x40: {  	_ =	shalt  }
0x41: {  	_ =	shalt  }
0x42: {  	_ =	shalt  }
0x43: {  	_ =	shalt  }
0x44: {  	_ =	shalt  }
0x45: {  	_ =	shalt  }
0x46: {  	_ =	shalt  }
0x47: {  	_ =	shalt  }
0x48: {  	_ =	shalt  }
0x49: {  	_ =	shalt  }
0x4a: {  	_ =	shalt  }
0x4b: {  	_ =	shalt  }
0x4c: {  	_ =	shalt  }
0x4d: {  	_ =	shalt  }
0x4e: {  	_ =	shalt  }
0x4f: {  	_ =	shalt  }
0x50: {  	_ =	shalt  }
0x51: {  	_ =	shalt  }
0x52: {  	_ =	shalt  }
0x53: {  	_ =	shalt  }
0x54: {  	_ =	shalt  }
0x55: {  	_ =	shalt  }
0x56: {  	_ =	shalt  }
0x57: {  	_ =	shalt  }
0x58: {  	_ =	shalt  }
0x59: {  	_ =	shalt  }
0x5a: {  	_ =	shalt  }
0x5b: {  	_ =	shalt  }
0x5c: {  	_ =	shalt  }
0x5d: {  	_ =	shalt  }
0x5e: {  	_ =	shalt  }
0x5f: {  	_ =	shalt  }
0x60: {  	_ =	shalt  }
0x61: {  	_ =	shalt  }
0x62: {  	_ =	shalt  }
0x63: {  	_ =	shalt  }
0x64: {  	_ =	shalt  }
0x65: {  	_ =	shalt  }
0x66: {  	_ =	shalt  }
0x67: {  	_ =	shalt  }
0x68: {  	_ =	shalt  }
0x69: {  	_ =	shalt  }
0x6a: {  	_ =	shalt  }
0x6b: {  	_ =	shalt  }
0x6c: {  	_ =	shalt  }
0x6d: {  	_ =	shalt  }
0x6e: {  	_ =	shalt  }
0x6f: {  	_ =	shalt  }
0x70: {  	_ =	shalt  }
0x71: {  	_ =	shalt  }
0x72: {  	_ =	shalt  }
0x73: {  	_ =	shalt  }
0x74: {  	_ =	shalt  }
0x75: {  	_ =	shalt  }
0x76: {  	_ =	shalt  }
0x77: {  	_ =	shalt  }
0x78: {  	_ =	shalt  }
0x79: {  	_ =	shalt  }
0x7a: {  	_ =	shalt  }
0x7b: {  	_ =	shalt  }
0x7c: {  	_ =	shalt  }
0x7d: {  	_ =	shalt  }
0x7e: {  	_ =	shalt  }
0x7f: {  	_ =	shalt  }
0x80: {  	_ =	shalt  }
0x81: {  	_ =	shalt  }
0x82: {  	_ =	shalt  }
0x83: {  	_ =	shalt  }
0x84: {  	_ =	shalt  }
0x85: {  	_ =	shalt  }
0x86: {  	_ =	shalt  }
0x87: {  	_ =	shalt  }
.Lfunc_end0:
.L_simem_size_0:
called_computation_lowered:
.L_overlay_start_0:
0x88: {  	s2 =	sld [smem:$0x3FD9]  }
0x89: {  	s3 =	sld [smem:$0x3FFE];
	_ =	sdelay $0x1  }
0x8a: {  	s1 =	srdreg.scid  }
0x8b: {  	s0 =	sand.u32 $0x1, s1  }
0x8c: {  	s18 =	sshll.u32 s0, $0xA;
	s2 =	sadd.s32 s3, s2  }
0x8d: {  	s2 =	sadd.s32 s2, s18  }
0x8e: {  	[smem:$0x3FC4] =	sst s2  }
0x8f: {  	_ = 	snop  }
0x90: {  	s2 =	sld [smem:$0x3FC9]  }
0x91: {  	s19 =	sld [smem:$0x3FC8]  }
0x92: {  	s4 =	sld [smem:$0x3FC7]  }
0x93: {  	s5 =	sld [smem:$0x3FC6]  }
0x94: {  	s6 =	sld [smem:$0x3FD0];
	(tm) =	ssettm $0x1  }
0x95: {  	s7 =	sld [smem:$0x3FFB];
	_ =	sdelay $0x3  }
0x96: {  	_ =	strace s7  }
0x97: {  	s7 =	sld [smem:$0x3FFC];
	_ =	sdelay $0x3  }
0x98: {  	_ =	strace s7  }
0x99: {  	s7 =	sld [smem:$0x3FFD];
	_ =	sdelay $0x3  }
0x9a: {  	_ =	strace s7  }
0x9b: {  	_ =	strace $0x8FFFFFFF  }
0x9c: {  	s20 =	sld [smem:$0x3FDB];
	_ =	sdelay $0x1  }
0x9d: {  	s8 =	simm.s32 $_scs_section_size  }
0x9e: {  	s9 =	simm.s32 $_size__tile_overlayer_lowered;
	s10 =	simm.s32 $_tile_overlayer_lowered  }
0x9f: {  	s23 =	simm.s32 $0x1BFF;
	s22 =	sshll.u32 s10, $0x1;
	s7 =	sadd.s32 s8, s20  }
0xa0: {  	s11 =	simm.s32 $0x0;
	s21 =	sshll.u32 s9, $0x1;
	s9 =	sadd.s32 s22, s7  }
0xa1: {  	[timem:s11], [sflag:s23] =	dma.local [hbm:s9], s21  }
0xa2: {  	_ =	swait.ge [sflag:s23], s21  }
0xa3: {  	s8 =	ssub.s32 $0x0, s21;
	[sflag:s23] =	ssyncset.done $0x0  }
0xa4: {  	[sflag:s23] =	ssyncadd.s32 s8;
	_ =	sdelay $0x1  }
0xa5: {  	s24 =	simm.s32 $0x1B8B  }
0xa6: {  	_ =	swait.ge [sflag:s24], $0x1  }
0xa7: {  	[sflag:s24] =	ssyncset.done $0x0  }
0xa8: {  	s25 =	simm.s32 $0x1B8E;
	[sflag:s24] =	ssyncadd.s32 $0xFFFFFFFF  }
0xa9: {  	s26 =	simm.s32 $execute0_lowered;
	[smem:$0x3FD2] =	sst s25  }
0xaa: {  	s8 =	sshll.u32 s26, $0x1;
	_ =	strace $0x80000046;
	[dreg:$0x1] =	wrdreg $0xFFFFFFFF  }
0xab: {  	s28 =	simm.s32 $_size_execute0_lowered;
	s7 =	sadd.s32 s7, s8;
	[dreg:$0x0] =	wrdreg $0x0  }
0xac: {  	s8 =	sshll.u32 s28, $0x1;
	[dreg:$0x2] =	wrdreg s7  }
0xad: {  	[dreg:$0x3] =	wrdreg s8  }
0xae: {  	[dreg:$0x4] =	wrdreg $0xC0  }
0xaf: {  	_ =	task [dreg:s11], $0x5FFFF  }
0xb0: {  	[dreg:$0x1] =	wrdreg $0xFFFFFFFF  }
0xb1: {  	[dreg:$0x0] =	wrdreg $0x60  }
0xb2: {  	[dreg:$0x2] =	wrdreg s19  }
0xb3: {  	[dreg:$0x3] =	wrdreg s4  }
0xb4: {  	[dreg:$0x4] =	wrdreg s5  }
0xb5: {  	[dreg:$0x5] =	wrdreg s2  }
0xb6: {  	[dreg:$0x6] =	wrdreg s6  }
0xb7: {  	[dreg:$0x7] =	wrdreg $0x1E4000  }
0xb8: {  	[dreg:$0x8] =	wrdreg $0x1E8000  }
0xb9: {  	[dreg:$0x9] =	wrdreg $0x1EA000  }
0xba: {  	[dreg:$0xa] =	wrdreg $0x9  }
0xbb: {  	_ =	task.clear_ibuf [dreg:s11], $0xBFFFF;
	_ =	strace $0x90000046  }
0xbc: {  	s29 =	simm.s32 $0x9;
	_ =	strace $0x80000048  }
0xbd: {  	_ =	swait.ge [sflag:s29], $0x1  }
0xbe: {  	[sflag:s29] =	ssyncadd.s32 $0xFFFFFFFF  }
0xbf: {  	_ =	strace $0x90000048  }
0xc0: {  	_ =	sfence  }
0xc1: {  	s30 =	sld [smem:$0x0];
	_ =	sdelay $0x2  }
0xc2: {  	s31 =	sshll.u32 s1, $0xD;
	s1 =	sshrl.u32 s1, $0x2  }
0xc3: {  	s3 =	sand.u32 $0x4000, s31;
	s1 =	sadd.s32 s1, s30  }
0xc4: {  	s0 =	sor.u32 s3, s0;
	s1 =	sshll.u32 s1, $0x11  }
0xc5: {  	s0 =	sor.u32 s1, s0  }
0xc6: {  	s0 =	sadd.s32 $0x8F2B, s0  }
0xc7: {  	[sflag:s0] =	ssyncadd.remote.s32 $0x1  }
0xc8: {  	_ =	sfence.sel $0xFFFF  }
0xc9: {  	[dreg:$0x0] =	wrdreg $0xFFFFFFFF;
	(pc) =	sbr.abs _section_cstart, $3  }
0xca: {  	[dreg:$0x1] =	wrdreg $0xFFFFFFFF  }
0xcb: {  	_ =	task.clear_ibuf [dreg:s11], $0x2FFFF;
	_ =	strace $0x9FFFFFFF  }
0xcc: {  	(tm) =	ssettm $0x7FFFFFFF  }
0xcd: {  	_ =	shalt  }
tec
execute0_lowered:
.L_overlay_start_1:
0x0: {  	(tag) =	ssettag $0x1  }
0x1: {  	s0 =	rddreg [dreg:$0x3]  }
0x2: {  	s4 =	rddreg [dreg:$0x4]  }
0x3: {  	s5 =	rddreg [dreg:$0x5]  }
0x4: {  	s6 =	rddreg [dreg:$0x6]  }
0x5: {  	s7 =	rddreg [dreg:$0x7]  }
0x6: {  	s1 =	srdreg.scid;
	s2 =	stileid.u32;
	s9 =	simm.s32 $0x0  }
0x7: {  	s17 =	simm.s32 $0x5;
	s18 =	simm.s32 $0x80;
	s19 =	simm.s32 $0x6400  }
0x8: {  	s21 =	simm.s32 $0xA400;
	s23 =	simm.s32 $0xE400;
	s25 =	simm.s32 $0x12400  }
0x9: {  	s28 =	simm.s32 $0x16400;
	s30 =	simm.s32 $0x1A400;
	s31 =	simm.s32 $0x1  }
0xa: {  	s15 =	simm.s32 $0x0;
	s1 =	sand.u32 $0x1, s1;
	s3 =	sshll.u32 s2, $0x8  }
0xb: {  	[smem:$0x7FF] =	sst s9;
	p0 =	sne.s32 s2, $0x0;
	s2 =	simm.s32 $0x3  }
0xc: {  	s8 =	sshll.u32 s1, $0x7;
	_ =	strace $0x80000047;
	s1 =	ssub.s32 $0x2, s1  }
0xd: {  	s12 =	sshrl.u32 @!p0 s5, $0x3;
	s13 =	sshrl.u32 @!p0 s6, $0x3;
	s14 =	sshrl.u32 @!p0 s7, $0x3  }
.Ltmp0:
0xe: {  	s3 =	sor.u32 s8, s3;
	s29 =	sshrl.u32 s1, $0x1;
	(pc) =	sbr.rel .LBB2_1-.Ltmp0, $4  }
0xf: {  	s8 =	sshrl.u32 s3, $0x3;
	s3 =	sshrl.u32 s3, $0x1;
	s1 =	ssub.s32 s1, s29  }
0x10: {  	s8 =	smul.u32 $0x180, s8;
	s0 =	sadd.s32 s0, s3;
	s10 =	smax.u32 s1, $0x1  }
0x11: {  	s3 =	simm.s32 $0x400;
	s1 =	simm.s32 $0x2;
	[dreg:$0x9] =	wrdreg s0  }
0x12: {  	s0 =	simm.s32 $0xC00;
	s20 =	sadd.s32 $0x30000, s8;
	s8 =	simm.s32 $0x4  }
.LBB2_4:
0x13: {  	_ =	swait.ge [sflag:s2], $0x4000  }
0x14: {  	[sflag:s2] =	ssyncset.done $0x0  }
0x15: {  	[sflag:s2] =	ssyncadd.s32 $0xFFFFC000  }
0x16: {  	_ =	swait.ge [sflag:s2], $0x4000  }
0x17: {  	[sflag:s2] =	ssyncset.done $0x0  }
0x18: {  	[sflag:s2] =	ssyncadd.s32 $0xFFFFC000  }
0x19: {  	_ =	swait.ge [sflag:s2], $0x4000  }
0x1a: {  	[sflag:s2] =	ssyncset.done $0x0  }
0x1b: {  	[sflag:s2] =	ssyncadd.s32 $0xFFFFC000  }
0x1c: {  	_ =	swait.ge [sflag:s8], $0x4000  }
0x1d: {  	[sflag:s8] =	ssyncset.done $0x0  }
0x1e: {  	s15 =	sadd.s32 $0x1, s15;
	[sflag:s8] =	ssyncadd.s32 $0xFFFFC000  }
0x1f: {  	p1 =	sne.s32 s15, s10;
	_ =	swait.ge [sflag:s8], $0x4000  }
.Ltmp1:
0x20: {  	[sflag:s8] =	ssyncset.done $0x0;
	(pc) =	sbr.rel @!p1 .LBB2_5-.Ltmp1, $4  }
0x21: {  	[sflag:s8] =	ssyncadd.s32 $0xFFFFC000  }
0x22: {  	_ =	swait.ge [sflag:s8], $0x4000  }
0x23: {  	[sflag:s8] =	ssyncset.done $0x0  }
0x24: {  	[sflag:s8] =	ssyncadd.s32 $0xFFFFC000  }
.LBB2_1:
0x25: {  	s11 =	simm.s32 @!p0 $0x1C05;
	s9 =	rddreg [dreg:$0x0];
	s16 =	simm.s32 @!p0 $0x5  }
0x26: {  	[spmem:s12], [sflag:s11] =	dma.local @!p0 [hbm:s9], $0x800  }
0x27: {  	_ =	swait.ge @!p0 [sflag:s16], $0x800  }
0x28: {  	[sflag:s16] =	ssyncset.done @!p0 $0x0  }
0x29: {  	[sflag:s16] =	ssyncadd.s32 @!p0 $0xFFFFF800  }
0x2a: {  	s9 =	rddreg [dreg:$0x1]  }
0x2b: {  	[spmem:s13], [sflag:s11] =	dma.local @!p0 [hbm:s9], $0x400  }
0x2c: {  	_ =	swait.ge @!p0 [sflag:s16], $0x400  }
0x2d: {  	[sflag:s16] =	ssyncset.done @!p0 $0x0  }
0x2e: {  	[sflag:s16] =	ssyncadd.s32 @!p0 $0xFFFFFC00  }
0x2f: {  	s9 =	rddreg [dreg:$0x2]  }
0x30: {  	[spmem:s14], [sflag:s11] =	dma.local @!p0 [hbm:s9], $0x800  }
0x31: {  	_ =	swait.ge @!p0 [sflag:s16], $0x800  }
0x32: {  	s24 =	simm.s32 $0x0;
	s29 =	simm.s32 $0x200;
	[sflag:s16] =	ssyncset.done @!p0 $0x0  }
0x33: {  	s22 =	simm.s32 $0x4000;
	s26 =	rddreg [dreg:$0x9];
	[sflag:s16] =	ssyncadd.s32 @!p0 $0xFFFFF800  }
0x34: {  	[tilespmem:s24], [sflag:$0x5] =	stream.strided.gather [hbm4b:s26+s29], $0x6400, s22, s29, $0x38;
	[tilespmem:$0x1EE00] =	vst v63  }
0x35: {  	_ =	swait.ge [sflag:s17], $0x6400  }
0x36: {  	[sflag:s17] =	ssyncset.done $0x0  }
0x37: {  	[sflag:s17] =	ssyncadd.s32 $0xFFFF9C00  }
0x38: {  	[bflag:$0x0] =	sbarrier.arrive $0xFFFF  }
0x39: {  	[tilespmem:s19], [sflag:$0x1] =	stream.indirect.gather [spmem:s5], $0x80, s18, s18, $0xb8;
	[tilespmem:$0x1EE00] =	vst v63  }
0x3a: {  	s16 =	simm.s32 $0x100  }
0x3b: {  	[tilespmem:s21], [sflag:$0x1] =	stream.indirect.gather [spmem:s6], $0x80, s16, s18, $0xb8;
	[tilespmem:$0x1EE00] =	vst v63  }
0x3c: {  	s22 =	simm.s32 $0x180  }
0x3d: {  	[tilespmem:s23], [sflag:$0x1] =	stream.indirect.gather [spmem:s7], $0x80, s22, s18, $0xb8;
	[tilespmem:$0x1EE00] =	vst v63  }
0x3e: {  	s24 =	simm.s32 $0x280  }
0x3f: {  	[tilespmem:s25], [sflag:$0x2] =	stream.indirect.gather [spmem:s5], $0x80, s24, s18, $0xb8;
	[tilespmem:$0x1EE00] =	vst v63  }
0x40: {  	s26 =	simm.s32 $0x300  }
0x41: {  	[tilespmem:s28], [sflag:$0x2] =	stream.indirect.gather [spmem:s6], $0x80, s26, s18, $0xb8;
	[tilespmem:$0x1EE00] =	vst v63  }
0x42: {  	s11 =	smov.u32 s20;
	s29 =	simm.s32 $0x380;
	s16 =	simm.s32 $0x0  }
0x43: {  	[tilespmem:s30], [sflag:$0x2] =	stream.indirect.gather [spmem:s7], $0x80, s29, s18, $0xb8;
	[tilespmem:$0x1EE00] =	vst v63  }
.LBB2_2:
0x44: {  	_ =	swait.ge [sflag:s31], $0x4000  }
0x45: {  	[sflag:s31] =	ssyncset.done $0x0  }
0x46: {  	[sflag:s31] =	ssyncadd.s32 $0xFFFFC000  }
0x47: {  	_ =	swait.ge [sflag:s31], $0x4000  }
0x48: {  	[sflag:s31] =	ssyncset.done $0x0  }
0x49: {  	[sflag:s31] =	ssyncadd.s32 $0xFFFFC000  }
0x4a: {  	_ =	swait.ge [sflag:s31], $0x4000  }
0x4b: {  	s22 =	sadd.s32 s11, s4;
	[sflag:s31] =	ssyncset.done $0x0  }
0x4c: {  	s24 =	sadd.s32 $0xFFFD0000, s22;
	[sflag:s31] =	ssyncadd.s32 $0xFFFFC000  }
0x4d: {  	[hbm4b:s24+s3] =	stream.strided.scatter [tilespmem:s19], [sflag:$0x3], $0x4000, s0, s3, $0x38;
	[tilespmem:$0x1EE00] =	vst v63  }
0x4e: {  	p1 =	seq.s32 s16, $0x18000;
	s29 =	sadd.s32 $0xFFFD0080, s22  }
0x4f: {  	[hbm4b:s29+s3] =	stream.strided.scatter [tilespmem:s21], [sflag:$0x3], $0x4000, s0, s3, $0x38;
	[tilespmem:$0x1EE00] =	vst v63  }
0x50: {  	s9 =	sadd.s32 $0xFFFD0100, s22;
	s24 =	simm.s32 @!p1 $0x3  }
0x51: {  	[hbm4b:s9+s3] =	stream.strided.scatter [tilespmem:s23], [sflag:$0x3], $0x4000, s0, s3, $0x38;
	[tilespmem:$0x1EE00] =	vst v63  }
0x52: {  	_ =	swait.ge @!p1 [sflag:s24], $0x4000  }
0x53: {  	[sflag:s24] =	ssyncset.done @!p1 $0x0  }
0x54: {  	[sflag:s24] =	ssyncadd.s32 @!p1 $0xFFFFC000  }
0x55: {  	_ =	swait.ge @!p1 [sflag:s24], $0x4000  }
0x56: {  	[sflag:s24] =	ssyncset.done @!p1 $0x0  }
0x57: {  	[sflag:s24] =	ssyncadd.s32 @!p1 $0xFFFFC000  }
0x58: {  	_ =	swait.ge @!p1 [sflag:s24], $0x4000  }
0x59: {  	[sflag:s24] =	ssyncset.done @!p1 $0x0  }
0x5a: {  	[sflag:s24] =	ssyncadd.s32 @!p1 $0xFFFFC000;
	s24 =	sshra.s32 @!p1 s16, $0x2  }
0x5b: {  	s29 =	simm.s32 @!p1 $0x80;
	s9 =	simm.s32 @!p1 $0x6400;
	s26 =	sadd.s32 @!p1 $0x480, s24  }
0x5c: {  	[tilespmem:s9], [sflag:$0x1] =	stream.indirect.gather @!p1 [spmem:s5], $0x80, s26, s29, $0xb8;
	[tilespmem:$0x1EE00] =	vst v63  }
0x5d: {  	s9 =	sadd.s32 @!p1 $0x500, s24;
	s26 =	simm.s32 @!p1 $0xA400  }
0x5e: {  	[tilespmem:s26], [sflag:$0x1] =	stream.indirect.gather @!p1 [spmem:s6], $0x80, s9, s29, $0xb8;
	[tilespmem:$0x1EE00] =	vst v63  }
0x5f: {  	s9 =	sadd.s32 @!p1 $0x580, s24;
	s24 =	simm.s32 @!p1 $0xE400  }
0x60: {  	[tilespmem:s24], [sflag:$0x1] =	stream.indirect.gather @!p1 [spmem:s7], $0x80, s9, s29, $0xb8;
	[tilespmem:$0x1EE00] =	vst v63  }
0x61: {  	_ =	swait.ge [sflag:s1], $0x4000  }
0x62: {  	[sflag:s1] =	ssyncset.done $0x0  }
0x63: {  	[sflag:s1] =	ssyncadd.s32 $0xFFFFC000  }
0x64: {  	_ =	swait.ge [sflag:s1], $0x4000  }
0x65: {  	[sflag:s1] =	ssyncset.done $0x0  }
0x66: {  	[sflag:s1] =	ssyncadd.s32 $0xFFFFC000  }
0x67: {  	_ =	swait.ge [sflag:s1], $0x4000  }
0x68: {  	[sflag:s1] =	ssyncset.done $0x0  }
0x69: {  	[sflag:s1] =	ssyncadd.s32 $0xFFFFC000  }
0x6a: {  	[hbm4b:s22+s3] =	stream.strided.scatter [tilespmem:s25], [sflag:$0x4], $0x4000, s0, s3, $0x38;
	[tilespmem:$0x1EE00] =	vst v63  }
.Ltmp2:
0x6b: {  	s26 =	sor.u32 $0x80, s11;
	(pc) =	sbr.rel @p1 .LBB2_4-.Ltmp2, $4  }
0x6c: {  	s9 =	sadd.s32 s4, s26;
	s29 =	sor.u32 $0x100, s11  }
0x6d: {  	[hbm4b:s9+s3] =	stream.strided.scatter [tilespmem:s28], [sflag:$0x4], $0x4000, s0, s3, $0x38;
	[tilespmem:$0x1EE00] =	vst v63  }
0x6e: {  	s9 =	sadd.s32 s4, s29  }
0x6f: {  	[hbm4b:s9+s3] =	stream.strided.scatter [tilespmem:s30], [sflag:$0x4], $0x4000, s0, s3, $0x38;
	[tilespmem:$0x1EE00] =	vst v63  }
0x70: {  	_ =	swait.ge [sflag:s8], $0x4000  }
0x71: {  	[sflag:s8] =	ssyncset.done $0x0  }
0x72: {  	[sflag:s8] =	ssyncadd.s32 $0xFFFFC000  }
0x73: {  	_ =	swait.ge [sflag:s8], $0x4000  }
0x74: {  	[sflag:s8] =	ssyncset.done $0x0  }
0x75: {  	[sflag:s8] =	ssyncadd.s32 $0xFFFFC000  }
0x76: {  	_ =	swait.ge [sflag:s8], $0x4000  }
0x77: {  	s9 =	sshra.s32 s16, $0x2;
	[sflag:s8] =	ssyncset.done $0x0  }
0x78: {  	s22 =	sadd.s32 $0x680, s9;
	[sflag:s8] =	ssyncadd.s32 $0xFFFFC000  }
0x79: {  	[tilespmem:s25], [sflag:$0x2] =	stream.indirect.gather [spmem:s5], $0x80, s22, s18, $0xb8;
	[tilespmem:$0x1EE00] =	vst v63  }
.Ltmp3:
0x7a: {  	_ = 	snop;
	(pc) =	sbr.rel .LBB2_2-.Ltmp3, $4  }
0x7b: {  	s29 =	sadd.s32 $0x700, s9  }
0x7c: {  	[tilespmem:s28], [sflag:$0x2] =	stream.indirect.gather [spmem:s6], $0x80, s29, s18, $0xb8;
	[tilespmem:$0x1EE00] =	vst v63  }
0x7d: {  	s11 =	sadd.s32 $0x60000, s11;
	s16 =	sadd.s32 $0x1000, s16;
	s9 =	sadd.s32 $0x780, s9  }
0x7e: {  	[tilespmem:s30], [sflag:$0x2] =	stream.indirect.gather [spmem:s7], $0x80, s9, s18, $0xb8;
	[tilespmem:$0x1EE00] =	vst v63  }
.LBB2_5:
0x7f: {  	_ =	sfence.sel $0x180000  }
0x80: {  	[bflag:$0x0] =	sbarrier.arrive $0xFFFF  }
0x81: {  	_ =	strace $0x90000047  }
0x82: {  	[bflag:$0x2] =	sbarrier.arrive $0xFFFF  }
0x83: {  	s0 =	rddreg [dreg:$0x8]  }
0x84: {  	s0 =	sadd.s32 @!p0 $0x100000, s0  }
0x85: {  	[sflag:s0] =	ssyncadd.tile.s32 @!p0 $0x1;
	_ =	shalt  }
.Lfunc_end2:
_tile_overlayer_lowered:
.L_overlay_start_2:
0x86: {  	(tag) =	ssettag $0x2  }
0x87: {  	s0 =	rddreg [dreg:$0x0];
	s2 =	stileid.u32  }
0x88: {  	s1 =	rddreg [dreg:$0x1];
	p0 =	sne.s32 s2, $0x0  }
0x89: {  	s3 =	rddreg [dreg:$0x2];
	[bflag:$0x3] =	sbarrier.arrive $0xFFFF;
	s2 =	simm.s32 @!p0 $0x1C05  }
0x8a: {  	[timem:s3], [sflag:s2] =	dma.local @!p0 [hbm:s0], s1  }
0x8b: {  	s0 =	simm.s32 @!p0 $0x5  }
0x8c: {  	_ =	swait.ge @!p0 [sflag:s0], s1  }
0x8d: {  	s1 =	ssub.s32 @!p0 $0x0, s1;
	[sflag:s0] =	ssyncset.done @!p0 $0x0  }
0x8e: {  	[sflag:s0] =	ssyncadd.s32 @!p0 s1  }
0x8f: {  	[bflag:$0x3] =	sbarrier.arrive $0xFFFF  }
0x90: {  	_ =	shalt  }

</sc_bundles>
